<compile_context>
chip_gen: v7x
topology: tpu7x:2x2x1
jax: 0.10.2.dev20260603
libtpu: 0.0.44.dev20260713+nightly
codegen_flags: <defaults>
</compile_context>

<pallas_src>
import jax
import jax.numpy as jnp
from jax import lax
from jax.experimental import pallas as pl
from jax.experimental.pallas import tpu as pltpu
from jax.experimental.pallas import tpu_sc as plsc

_B = 8192
_T = 4
_N = 16
_E = 128
_ATT = 32

_NC, _NS = 2, 16
_NW = _NC * _NS
_CH = 128
_SPC = _CH // _N
_SEGS = _B * _T
_SEG_W = _SEGS // _NW
_NCH = _SEG_W // _SPC
_FLUSH = 8
_NE_W = _B // _NW
_NE_CH = _NE_W // _CH

_NSPLIT = 2
_B_C = _B // _NSPLIT
_SEG_C = _SEGS // _NSPLIT
_SEG_WC = _SEG_C // _NW
_NCH_C = _SEG_WC // _SPC
_NE_WC = _B_C // _NW
_NE_CH_C = _NE_WC // _CH


def _sc_gather_body(table, idx3, netab, neidx3, seg_out, ne_out,
                    idx_v, neidx_v, rows_v, outbuf, sem0, sem1):
    c = lax.axis_index("c")
    s = lax.axis_index("s")
    wid = s * _NC + c

    pltpu.sync_copy(idx3.at[wid], idx_v)
    pltpu.sync_copy(neidx3.at[wid], neidx_v)

    sems = (sem0, sem1)

    def fire(j, b):
        pltpu.async_copy(table.at[idx_v.at[j]], rows_v.at[b], sems[b])

    def wait(j, b):
        pltpu.make_async_copy(table.at[idx_v.at[j]], rows_v.at[b],
                              sems[b]).wait()

    def acc_chunk(j, b):
        def seg_body(sg, c2):
            r0 = sg * _N

            def n_body(n, acc):
                return tuple(acc[k] + rows_v[b, r0 + n, pl.ds(k * 16, 16)]
                             for k in range(_E // 16))

            acc0 = tuple(rows_v[b, r0, pl.ds(k * 16, 16)]
                         for k in range(_E // 16))
            acc = lax.fori_loop(1, _N, n_body, acc0)
            ob = lax.rem(j, _FLUSH) * _SPC + sg
            for k in range(_E // 16):
                outbuf[ob, pl.ds(k * 16, 16)] = acc[k]
            return c2

        lax.fori_loop(0, _SPC, seg_body, 0)

    fire(0, 0)

    def loop2(jj, carry):
        j0 = 2 * jj
        fire(j0 + 1, 1)
        wait(j0, 0)
        acc_chunk(j0, 0)

        @pl.when(jj + 1 < _NCH_C // 2)
        def _():
            fire(j0 + 2, 0)

        wait(j0 + 1, 1)
        acc_chunk(j0 + 1, 1)

        @pl.when(lax.rem(jj, _FLUSH // 2) == _FLUSH // 2 - 1)
        def _():
            seg_base = wid * _SEG_WC + (j0 + 1 - (_FLUSH - 1)) * _SPC
            pltpu.sync_copy(outbuf, seg_out.at[pl.ds(seg_base, _FLUSH * _SPC)])

        return carry

    lax.fori_loop(0, _NCH_C // 2, loop2, 0)

    for h in range(_NE_CH_C):
        b = h % 2
        pltpu.async_copy(netab.at[neidx_v.at[h]], rows_v.at[b], sems[b])
    for h in range(_NE_CH_C):
        b = h % 2
        pltpu.make_async_copy(netab.at[neidx_v.at[h]], rows_v.at[b],
                              sems[b]).wait()
        pltpu.sync_copy(rows_v.at[b],
                        ne_out.at[pl.ds(wid * _NE_WC + h * _CH, _CH)])


import functools


@functools.lru_cache(maxsize=1)
def _sc_gather_kernel():
    mesh = plsc.VectorSubcoreMesh(core_axis_name="c", subcore_axis_name="s",
                                  num_cores=_NC, num_subcores=_NS)
    return pl.kernel(
        _sc_gather_body,
        out_type=(jax.ShapeDtypeStruct((_SEG_C, _E), jnp.float32),
                  jax.ShapeDtypeStruct((_B_C, _E), jnp.float32)),
        mesh=mesh,
        scratch_types=[
            pltpu.VMEM((_NCH_C, _CH), jnp.int32),
            pltpu.VMEM((_NE_CH_C, _CH), jnp.int32),
            pltpu.VMEM((2, _CH, _E), jnp.float32),
            pltpu.VMEM((_FLUSH * _SPC, _E), jnp.float32),
            pltpu.SemaphoreType.DMA,
            pltpu.SemaphoreType.DMA,
        ],
    )

_BLK = 512


def _tc_body(x_ref, ne_ref, oh_ref, s1c_ref, s2sel_ref, w_ref, o_ref):
    X = x_ref[...]
    Xf = X.reshape(_BLK * _T, _E)
    oh = oh_ref[...]

    M = jnp.tanh(jnp.dot(Xf, s1c_ref[...],
                         preferred_element_type=jnp.float32))
    Mw = M.reshape(_BLK, _T, _E) * s2sel_ref[...][:, None, :]

    ones = jnp.ones((_E, _E), jnp.float32)
    lb = jnp.dot(Mw.reshape(_BLK * _T, _E), ones,
                 preferred_element_type=jnp.float32)
    eb = jnp.exp(lb).reshape(_BLK, _T, _E)
    numer = jnp.sum(eb * X, axis=1)
    denom = jnp.sum(eb, axis=1)
    y = numer / denom

    delta = jnp.zeros((_BLK, _E), jnp.float32)
    for w in range(_T):
        delta = delta + oh[:, w:w + 1] * jnp.dot(
            y, w_ref[w], preferred_element_type=jnp.float32)

    out = ne_ref[...] + delta
    nrm2 = jnp.dot(out * out, ones, preferred_element_type=jnp.float32)
    o_ref[...] = out / jnp.maximum(jnp.sqrt(nrm2), 1e-12)


def _tc_combine(X, ne_rows, onehot, s1c, s2sel, w):
    grid = _B_C // _BLK
    return pl.pallas_call(
        _tc_body,
        grid=(grid,),
        in_specs=[
            pl.BlockSpec((_BLK, _T, _E), lambda i: (i, 0, 0)),
            pl.BlockSpec((_BLK, _E), lambda i: (i, 0)),
            pl.BlockSpec((_BLK, _T), lambda i: (i, 0)),
            pl.BlockSpec((_E, _E), lambda i: (0, 0)),
            pl.BlockSpec((_BLK, _E), lambda i: (i, 0)),
            pl.BlockSpec((_T, _E, _E), lambda i: (0, 0, 0)),
        ],
        out_specs=pl.BlockSpec((_BLK, _E), lambda i: (i, 0)),
        out_shape=jax.ShapeDtypeStruct((_B_C, _E), jnp.float32),
    )(X, ne_rows, onehot, s1c, s2sel, w)


def kernel(inputs, node_types, node_neigh, node_embeddings,
           node_type_embeddings, trans_weights, trans_weights_s1,
           trans_weights_s2):
    inputs = inputs.astype(jnp.int32)
    node_neigh = node_neigh.astype(jnp.int32)
    t_idx = jnp.arange(_T, dtype=jnp.int32)

    flat_idx = (node_neigh * _T
                + t_idx[None, :, None]).reshape(_NSPLIT, _NW, _NCH_C, _CH)
    ne_idx = inputs.reshape(_NSPLIT, _NW, _NE_CH_C, _CH)
    table_flat = node_type_embeddings.reshape(-1, _E)

    onehot = (node_types[:, None] == t_idx[None, :]).astype(jnp.float32)
    s1c = trans_weights_s1.transpose(1, 0, 2).reshape(_E, _T * _ATT)
    s2sel = (onehot[:, :, None]
             * trans_weights_s2[None, :, :, 0]).reshape(_B, _T * _ATT)

    sc = _sc_gather_kernel()
    outs = []
    for h in range(_NSPLIT):
        segsum, ne_rows = sc(table_flat, flat_idx[h], node_embeddings,
                             ne_idx[h])
        X = segsum.reshape(_B_C, _T, _E)
        lo = h * _B_C
        outs.append(_tc_combine(X, ne_rows, onehot[lo:lo + _B_C],
                                s1c, s2sel[lo:lo + _B_C], trans_weights))
    return jnp.concatenate(outs, axis=0)

# --- scband reference (transcript-rebuilt; emitter-appended) ---
"""Pipeline reference for scband-graph-encoder-31310311587887 (READ-ONLY COPY).

The authoritative reference and input builder live on the scoring server;
editing this copy changes nothing except your own understanding.
"""

import jax, jax.numpy as jnp
import numpy as np

NUM_NODES = 100000
EMBED = 128
EMBED_U = 128
EDGE_TYPES = 4
ATT = 32
B = 8192
NEIGH = 16


def _xavier(k, shape):
    fan_in, fan_out = shape[-2], shape[-1]
    lim = np.sqrt(6.0 / (fan_in + fan_out))
    return jax.random.uniform(k, shape, minval=-lim, maxval=lim, dtype=jnp.float32)


def setup_inputs(seed: int = 0) -> dict:
    key = jax.random.key(seed)
    ks = jax.random.split(key, 8)
    inputs = jax.random.randint(ks[0], (B,), 0, NUM_NODES, dtype=jnp.int64 if jax.config.read('jax_enable_x64') else jnp.int32)
    node_types = jax.random.randint(ks[1], (B,), 0, EDGE_TYPES)
    node_neigh = jax.random.randint(ks[2], (B, EDGE_TYPES, NEIGH), 0, NUM_NODES)
    node_embeddings = jax.random.uniform(ks[3], (NUM_NODES, EMBED), dtype=jnp.float32)
    node_type_embeddings = jax.random.uniform(ks[4], (NUM_NODES, EDGE_TYPES, EMBED), dtype=jnp.float32)
    trans_weights = _xavier(ks[5], (EDGE_TYPES, EMBED_U, EMBED))
    trans_weights_s1 = _xavier(ks[6], (EDGE_TYPES, EMBED_U, ATT))
    trans_weights_s2 = _xavier(ks[7], (EDGE_TYPES, ATT, 1))
    return {
        'inputs': inputs,
        'node_types': node_types,
        'node_neigh': node_neigh,
        'node_embeddings': node_embeddings,
        'node_type_embeddings': node_type_embeddings,
        'trans_weights': trans_weights,
        'trans_weights_s1': trans_weights_s1,
        'trans_weights_s2': trans_weights_s2,
    }


def reference(inputs, node_types, node_neigh, node_embeddings, node_type_embeddings, trans_weights, trans_weights_s1, trans_weights_s2):
    # node_embed = self.node_embeddings[inputs]
    node_embed = jnp.take(node_embeddings, inputs, axis=0)  # [B, E]
    # per-edge-type neighbor embedding gather:
    # torch: cat([node_type_embeddings[:, i, :][node_neigh[:, i, :]].unsqueeze(1) for i in range(T)], dim=1)
    t_idx = jnp.arange(EDGE_TYPES)
    node_embed_neighbors = node_type_embeddings[node_neigh, t_idx[None, :, None], :]  # [B, T, NEIGH, E]
    # agg_func == 'SUM'
    node_type_embed = jnp.sum(node_embed_neighbors, axis=2)  # [B, T, E]
    trans_w = jnp.take(trans_weights, node_types, axis=0)        # [B, U, E]
    trans_w_s1 = jnp.take(trans_weights_s1, node_types, axis=0)  # [B, U, A]
    trans_w_s2 = jnp.take(trans_weights_s2, node_types, axis=0)  # [B, A, 1]
    att_logits = jnp.matmul(jnp.tanh(jnp.matmul(node_type_embed, trans_w_s1)), trans_w_s2)[:, :, 0]  # [B, T]
    attention = jax.nn.softmax(att_logits, axis=1)[:, None, :]  # [B, 1, T]
    node_type_embed_att = jnp.matmul(attention, node_type_embed)  # [B, 1, E]
    node_embed = node_embed + jnp.matmul(node_type_embed_att, trans_w)[:, 0, :]  # [B, E]
    # F.normalize(node_embed, dim=1) with default eps=1e-12
    norm = jnp.linalg.norm(node_embed, axis=1, keepdims=True)
    last_node_embed = node_embed / jnp.maximum(norm, 1e-12)
    return last_node_embed

if __name__ == "__main__":
    import jax
    _d = setup_inputs()
    print(jax.jit(kernel)(*tuple(_d.values())))

</pallas_src>

<mosaic_0001>
#map = affine_map<(d0, d1) -> (0, 0)>
#map1 = affine_map<(d0, d1) -> (0, 0, 0)>
module attributes {stable_mosaic.version = 14 : i64} {
  func.func @_sc_gather_body(%arg0: i32, %arg1: i32, %arg2: memref<400000x128xf32, #tpu.memory_space<hbm>>, %arg3: memref<32x64x128xi32, #tpu.memory_space<hbm>>, %arg4: memref<100000x128xf32, #tpu.memory_space<hbm>>, %arg5: memref<32x1x128xi32, #tpu.memory_space<hbm>>, %arg6: memref<16384x128xf32, #tpu.memory_space<hbm>>, %arg7: memref<4096x128xf32, #tpu.memory_space<hbm>>, %arg8: memref<64x128xi32, #tpu.memory_space<vmem>>, %arg9: memref<1x128xi32, #tpu.memory_space<vmem>>, %arg10: memref<2x128x128xf32, #tpu.memory_space<vmem>>, %arg11: memref<64x128xf32, #tpu.memory_space<vmem>>, %arg12: memref<!tpu.dma_semaphore, #tpu.memory_space<semaphore_mem>>, %arg13: memref<!tpu.dma_semaphore, #tpu.memory_space<semaphore_mem>>) attributes {dimension_semantics = [#tpu.dimension_semantics<core_parallel>, #tpu.dimension_semantics<subcore_parallel>], iteration_bounds = array<i64: 2, 16>, scalar_prefetch = 0 : i64, scratch_operands = 6 : i64, tpu.core_type = #tpu.core_type<sc_vector_subcore>, window_params = [{transform_indices = #map}, {transform_indices = #map1}, {transform_indices = #map}, {transform_indices = #map1}, {transform_indices = #map}, {transform_indices = #map}]} {
    %mul3A = arith.constant 2 : i32
    %mul3A_0 = arith.muli %arg1, %mul3A : i32
    %add3A = arith.addi %mul3A_0, %arg0 : i32
    "tpu.region"() ({
      %run_scoped3A_44 = tpu.sem_alloc : memref<!tpu.dma_semaphore, #tpu.memory_space<semaphore_mem>>
      %dma_start3A_45 = arith.constant 0 : i32
      %dma_start3A_46 = arith.constant 0 : i32
      %dma_start3A_47 = tpu.memref_slice %arg3[%add3A, %dma_start3A_45, %dma_start3A_46] : memref<32x64x128xi32, #tpu.memory_space<hbm>> -> memref<1x64x128xi32, #tpu.memory_space<hbm>>
      %dma_start3A_48 = tpu.memref_squeeze %dma_start3A_47 : memref<1x64x128xi32, #tpu.memory_space<hbm>> -> memref<64x128xi32, #tpu.memory_space<hbm>>
      %dma_start3A_49 = arith.constant 0 : i32
      %dma_start3A_50 = arith.constant 0 : i32
      %dma_start3A_51 = tpu.memref_slice %arg3[%add3A, %dma_start3A_49, %dma_start3A_50] : memref<32x64x128xi32, #tpu.memory_space<hbm>> -> memref<1x64x128xi32, #tpu.memory_space<hbm>>
      %dma_start3A_52 = tpu.memref_squeeze %dma_start3A_51 : memref<1x64x128xi32, #tpu.memory_space<hbm>> -> memref<64x128xi32, #tpu.memory_space<hbm>>
      tpu.enqueue_dma source(%dma_start3A_52 : memref<64x128xi32, #tpu.memory_space<hbm>>) target(%arg8 : memref<64x128xi32, #tpu.memory_space<vmem>>) target_semaphore(%run_scoped3A_44 : memref<!tpu.dma_semaphore, #tpu.memory_space<semaphore_mem>>)
      %dma_wait3A_53 = arith.constant 0 : i32
      %dma_wait3A_54 = arith.constant 0 : i32
      %dma_wait3A_55 = tpu.memref_slice %arg3[%add3A, %dma_wait3A_53, %dma_wait3A_54] : memref<32x64x128xi32, #tpu.memory_space<hbm>> -> memref<1x64x128xi32, #tpu.memory_space<hbm>>
      %dma_wait3A_56 = tpu.memref_squeeze %dma_wait3A_55 : memref<1x64x128xi32, #tpu.memory_space<hbm>> -> memref<64x128xi32, #tpu.memory_space<hbm>>
      %dma_wait3A_57 = arith.constant 0 : i32
      %dma_wait3A_58 = arith.constant 0 : i32
      %dma_wait3A_59 = tpu.memref_slice %arg3[%add3A, %dma_wait3A_57, %dma_wait3A_58] : memref<32x64x128xi32, #tpu.memory_space<hbm>> -> memref<1x64x128xi32, #tpu.memory_space<hbm>>
      %dma_wait3A_60 = tpu.memref_squeeze %dma_wait3A_59 : memref<1x64x128xi32, #tpu.memory_space<hbm>> -> memref<64x128xi32, #tpu.memory_space<hbm>>
      tpu.wait_dma2 semaphore(%run_scoped3A_44 : memref<!tpu.dma_semaphore, #tpu.memory_space<semaphore_mem>>) src(%dma_wait3A_60 : memref<64x128xi32, #tpu.memory_space<hbm>>) dst(%arg8 : memref<64x128xi32, #tpu.memory_space<vmem>>)
      tpu.yield
    }) : () -> ()
    "tpu.region"() ({
      %run_scoped3A_44 = tpu.sem_alloc : memref<!tpu.dma_semaphore, #tpu.memory_space<semaphore_mem>>
      %dma_start3A_45 = arith.constant 0 : i32
      %dma_start3A_46 = arith.constant 0 : i32
      %dma_start3A_47 = tpu.memref_slice %arg5[%add3A, %dma_start3A_45, %dma_start3A_46] : memref<32x1x128xi32, #tpu.memory_space<hbm>> -> memref<1x1x128xi32, #tpu.memory_space<hbm>>
      %dma_start3A_48 = tpu.memref_squeeze %dma_start3A_47 : memref<1x1x128xi32, #tpu.memory_space<hbm>> -> memref<1x128xi32, #tpu.memory_space<hbm>>
      %dma_start3A_49 = arith.constant 0 : i32
      %dma_start3A_50 = arith.constant 0 : i32
      %dma_start3A_51 = tpu.memref_slice %arg5[%add3A, %dma_start3A_49, %dma_start3A_50] : memref<32x1x128xi32, #tpu.memory_space<hbm>> -> memref<1x1x128xi32, #tpu.memory_space<hbm>>
      %dma_start3A_52 = tpu.memref_squeeze %dma_start3A_51 : memref<1x1x128xi32, #tpu.memory_space<hbm>> -> memref<1x128xi32, #tpu.memory_space<hbm>>
      tpu.enqueue_dma source(%dma_start3A_52 : memref<1x128xi32, #tpu.memory_space<hbm>>) target(%arg9 : memref<1x128xi32, #tpu.memory_space<vmem>>) target_semaphore(%run_scoped3A_44 : memref<!tpu.dma_semaphore, #tpu.memory_space<semaphore_mem>>)
      %dma_wait3A_53 = arith.constant 0 : i32
      %dma_wait3A_54 = arith.constant 0 : i32
      %dma_wait3A_55 = tpu.memref_slice %arg5[%add3A, %dma_wait3A_53, %dma_wait3A_54] : memref<32x1x128xi32, #tpu.memory_space<hbm>> -> memref<1x1x128xi32, #tpu.memory_space<hbm>>
      %dma_wait3A_56 = tpu.memref_squeeze %dma_wait3A_55 : memref<1x1x128xi32, #tpu.memory_space<hbm>> -> memref<1x128xi32, #tpu.memory_space<hbm>>
      %dma_wait3A_57 = arith.constant 0 : i32
      %dma_wait3A_58 = arith.constant 0 : i32
      %dma_wait3A_59 = tpu.memref_slice %arg5[%add3A, %dma_wait3A_57, %dma_wait3A_58] : memref<32x1x128xi32, #tpu.memory_space<hbm>> -> memref<1x1x128xi32, #tpu.memory_space<hbm>>
      %dma_wait3A_60 = tpu.memref_squeeze %dma_wait3A_59 : memref<1x1x128xi32, #tpu.memory_space<hbm>> -> memref<1x128xi32, #tpu.memory_space<hbm>>
      tpu.wait_dma2 semaphore(%run_scoped3A_44 : memref<!tpu.dma_semaphore, #tpu.memory_space<semaphore_mem>>) src(%dma_wait3A_60 : memref<1x128xi32, #tpu.memory_space<hbm>>) dst(%arg9 : memref<1x128xi32, #tpu.memory_space<vmem>>)
      tpu.yield
    }) : () -> ()
    %dma_start3A = arith.constant 0 : i32
    %dma_start3A_1 = arith.constant 0 : i32
    %dma_start3A_2 = arith.constant 0 : i32
    %dma_start3A_3 = arith.constant 0 : i32
    %dma_start3A_4 = tpu.memref_slice %arg10[%dma_start3A_1, %dma_start3A_2, %dma_start3A_3] : memref<2x128x128xf32, #tpu.memory_space<vmem>> -> memref<1x128x128xf32, #tpu.memory_space<vmem>>
    %dma_start3A_5 = tpu.memref_squeeze %dma_start3A_4 : memref<1x128x128xf32, #tpu.memory_space<vmem>> -> memref<128x128xf32, #tpu.memory_space<vmem>>
    %dma_start3A_6 = arith.constant 0 : i32
    %dma_start3A_7 = tpu.memref_slice %arg8[%dma_start3A, %dma_start3A_6] : memref<64x128xi32, #tpu.memory_space<vmem>> -> memref<1x128xi32, #tpu.memory_space<vmem>>
    %dma_start3A_8 = tpu.memref_squeeze %dma_start3A_7 : memref<1x128xi32, #tpu.memory_space<vmem>> -> memref<128xi32, #tpu.memory_space<vmem>>
    %dma_start3A_9 = arith.constant 0 : i32
    %dma_start3A_10 = arith.constant 0 : i32
    %dma_start3A_11 = tpu.memref_slice %arg2[%dma_start3A_9, %dma_start3A_10] : memref<400000x128xf32, #tpu.memory_space<hbm>> -> memref<400000x128xf32, #tpu.memory_space<hbm>>
    tpu.enqueue_indirect_dma source(%dma_start3A_11 : memref<400000x128xf32, #tpu.memory_space<hbm>>) target(%dma_start3A_5 : memref<128x128xf32, #tpu.memory_space<vmem>>) offsets(%dma_start3A_8 : memref<128xi32, #tpu.memory_space<vmem>>) semaphore(%arg12 : memref<!tpu.dma_semaphore, #tpu.memory_space<semaphore_mem>>)
    %scan3A = arith.constant 0 : i32
    %scan3A_12 = arith.constant 0 : i32
    %scan3A_13 = arith.constant 32 : i32
    %scan3A_14 = arith.addi %scan3A_12, %scan3A_13 : i32
    %scan3A_15 = arith.constant 1 : i32
    scf.for %scan3A_44 = %scan3A_12 to %scan3A_14 step %scan3A_15  : i32 {
      %mul3A_45 = arith.constant 2 : i32
      %mul3A_46 = arith.muli %mul3A_45, %scan3A_44 : i32
      %add3A_47 = arith.constant 1 : i32
      %add3A_48 = arith.addi %mul3A_46, %add3A_47 : i32
      %dma_start3A_49 = arith.constant 1 : i32
      %dma_start3A_50 = arith.constant 0 : i32
      %dma_start3A_51 = arith.constant 0 : i32
      %dma_start3A_52 = tpu.memref_slice %arg10[%dma_start3A_49, %dma_start3A_50, %dma_start3A_51] : memref<2x128x128xf32, #tpu.memory_space<vmem>> -> memref<1x128x128xf32, #tpu.memory_space<vmem>>
      %dma_start3A_53 = tpu.memref_squeeze %dma_start3A_52 : memref<1x128x128xf32, #tpu.memory_space<vmem>> -> memref<128x128xf32, #tpu.memory_space<vmem>>
      %dma_start3A_54 = arith.constant 0 : i32
      %dma_start3A_55 = tpu.memref_slice %arg8[%add3A_48, %dma_start3A_54] : memref<64x128xi32, #tpu.memory_space<vmem>> -> memref<1x128xi32, #tpu.memory_space<vmem>>
      %dma_start3A_56 = tpu.memref_squeeze %dma_start3A_55 : memref<1x128xi32, #tpu.memory_space<vmem>> -> memref<128xi32, #tpu.memory_space<vmem>>
      %dma_start3A_57 = arith.constant 0 : i32
      %dma_start3A_58 = arith.constant 0 : i32
      %dma_start3A_59 = tpu.memref_slice %arg2[%dma_start3A_57, %dma_start3A_58] : memref<400000x128xf32, #tpu.memory_space<hbm>> -> memref<400000x128xf32, #tpu.memory_space<hbm>>
      tpu.enqueue_indirect_dma source(%dma_start3A_59 : memref<400000x128xf32, #tpu.memory_space<hbm>>) target(%dma_start3A_53 : memref<128x128xf32, #tpu.memory_space<vmem>>) offsets(%dma_start3A_56 : memref<128xi32, #tpu.memory_space<vmem>>) semaphore(%arg13 : memref<!tpu.dma_semaphore, #tpu.memory_space<semaphore_mem>>)
      %dma_wait3A_60 = arith.constant 0 : i32
      %dma_wait3A_61 = arith.constant 0 : i32
      %dma_wait3A_62 = arith.constant 0 : i32
      %dma_wait3A_63 = tpu.memref_slice %arg10[%dma_wait3A_60, %dma_wait3A_61, %dma_wait3A_62] : memref<2x128x128xf32, #tpu.memory_space<vmem>> -> memref<1x128x128xf32, #tpu.memory_space<vmem>>
      %dma_wait3A_64 = tpu.memref_squeeze %dma_wait3A_63 : memref<1x128x128xf32, #tpu.memory_space<vmem>> -> memref<128x128xf32, #tpu.memory_space<vmem>>
      %dma_wait3A_65 = arith.constant 0 : i32
      %dma_wait3A_66 = tpu.memref_slice %arg8[%mul3A_46, %dma_wait3A_65] : memref<64x128xi32, #tpu.memory_space<vmem>> -> memref<1x128xi32, #tpu.memory_space<vmem>>
      %dma_wait3A_67 = tpu.memref_squeeze %dma_wait3A_66 : memref<1x128xi32, #tpu.memory_space<vmem>> -> memref<128xi32, #tpu.memory_space<vmem>>
      %dma_wait3A_68 = arith.constant 0 : i32
      %dma_wait3A_69 = arith.constant 0 : i32
      %dma_wait3A_70 = tpu.memref_slice %arg2[%dma_wait3A_68, %dma_wait3A_69] : memref<400000x128xf32, #tpu.memory_space<hbm>> -> memref<400000x128xf32, #tpu.memory_space<hbm>>
      tpu.wait_indirect_dma semaphore(%arg12 : memref<!tpu.dma_semaphore, #tpu.memory_space<semaphore_mem>>) src(%dma_wait3A_70 : memref<400000x128xf32, #tpu.memory_space<hbm>>) dst(%dma_wait3A_64 : memref<128x128xf32, #tpu.memory_space<vmem>>)
      %scan3A_71 = arith.constant 0 : i32
      %scan3A_72 = arith.constant 0 : i32
      %scan3A_73 = arith.constant 8 : i32
      %scan3A_74 = arith.addi %scan3A_72, %scan3A_73 : i32
      %scan3A_75 = arith.constant 1 : i32
      scf.for %scan3A_107 = %scan3A_72 to %scan3A_74 step %scan3A_75  : i32 {
        %mul3A_108 = arith.constant 16 : i32
        %mul3A_109 = arith.muli %scan3A_107, %mul3A_108 : i32
        %get3A = arith.constant 0 : i32
        %get3A_110 = arith.index_cast %get3A : i32 to index
        %get3A_111 = arith.index_cast %mul3A_109 : i32 to index
        %get3A_112 = arith.constant 0 : index
        %get3A_113 = tpu.vector_load %arg10[%get3A_110, %get3A_111, %get3A_112] {strides = array<i32>} : memref<2x128x128xf32, #tpu.memory_space<vmem>>, vector<1x1x16xf32>,
        %get3A_114 = vector.shape_cast %get3A_113 : vector<1x1x16xf32> to vector<16xf32>
        %get3A_115 = arith.constant 0 : i32
        %get3A_116 = arith.index_cast %get3A_115 : i32 to index
        %get3A_117 = arith.index_cast %mul3A_109 : i32 to index
        %get3A_118 = arith.constant 16 : index
        %get3A_119 = tpu.vector_load %arg10[%get3A_116, %get3A_117, %get3A_118] {strides = array<i32>} : memref<2x128x128xf32, #tpu.memory_space<vmem>>, vector<1x1x16xf32>,
        %get3A_120 = vector.shape_cast %get3A_119 : vector<1x1x16xf32> to vector<16xf32>
        %get3A_121 = arith.constant 0 : i32
        %get3A_122 = arith.index_cast %get3A_121 : i32 to index
        %get3A_123 = arith.index_cast %mul3A_109 : i32 to index
        %get3A_124 = arith.constant 32 : index
        %get3A_125 = tpu.vector_load %arg10[%get3A_122, %get3A_123, %get3A_124] {strides = array<i32>} : memref<2x128x128xf32, #tpu.memory_space<vmem>>, vector<1x1x16xf32>,
        %get3A_126 = vector.shape_cast %get3A_125 : vector<1x1x16xf32> to vector<16xf32>
        %get3A_127 = arith.constant 0 : i32
        %get3A_128 = arith.index_cast %get3A_127 : i32 to index
        %get3A_129 = arith.index_cast %mul3A_109 : i32 to index
        %get3A_130 = arith.constant 48 : index
        %get3A_131 = tpu.vector_load %arg10[%get3A_128, %get3A_129, %get3A_130] {strides = array<i32>} : memref<2x128x128xf32, #tpu.memory_space<vmem>>, vector<1x1x16xf32>,
        %get3A_132 = vector.shape_cast %get3A_131 : vector<1x1x16xf32> to vector<16xf32>
        %get3A_133 = arith.constant 0 : i32
        %get3A_134 = arith.index_cast %get3A_133 : i32 to index
        %get3A_135 = arith.index_cast %mul3A_109 : i32 to index
        %get3A_136 = arith.constant 64 : index
        %get3A_137 = tpu.vector_load %arg10[%get3A_134, %get3A_135, %get3A_136] {strides = array<i32>} : memref<2x128x128xf32, #tpu.memory_space<vmem>>, vector<1x1x16xf32>,
        %get3A_138 = vector.shape_cast %get3A_137 : vector<1x1x16xf32> to vector<16xf32>
        %get3A_139 = arith.constant 0 : i32
        %get3A_140 = arith.index_cast %get3A_139 : i32 to index
        %get3A_141 = arith.index_cast %mul3A_109 : i32 to index
        %get3A_142 = arith.constant 80 : index
        %get3A_143 = tpu.vector_load %arg10[%get3A_140, %get3A_141, %get3A_142] {strides = array<i32>} : memref<2x128x128xf32, #tpu.memory_space<vmem>>, vector<1x1x16xf32>,
        %get3A_144 = vector.shape_cast %get3A_143 : vector<1x1x16xf32> to vector<16xf32>
        %get3A_145 = arith.constant 0 : i32
        %get3A_146 = arith.index_cast %get3A_145 : i32 to index
        %get3A_147 = arith.index_cast %mul3A_109 : i32 to index
        %get3A_148 = arith.constant 96 : index
        %get3A_149 = tpu.vector_load %arg10[%get3A_146, %get3A_147, %get3A_148] {strides = array<i32>} : memref<2x128x128xf32, #tpu.memory_space<vmem>>, vector<1x1x16xf32>,
        %get3A_150 = vector.shape_cast %get3A_149 : vector<1x1x16xf32> to vector<16xf32>
        %get3A_151 = arith.constant 0 : i32
        %get3A_152 = arith.index_cast %get3A_151 : i32 to index
        %get3A_153 = arith.index_cast %mul3A_109 : i32 to index
        %get3A_154 = arith.constant 112 : index
        %get3A_155 = tpu.vector_load %arg10[%get3A_152, %get3A_153, %get3A_154] {strides = array<i32>} : memref<2x128x128xf32, #tpu.memory_space<vmem>>, vector<1x1x16xf32>,
        %get3A_156 = vector.shape_cast %get3A_155 : vector<1x1x16xf32> to vector<16xf32>
        %scan3A_157 = arith.constant 1 : i32
        %scan3A_158 = arith.constant 15 : i32
        %scan3A_159 = arith.addi %scan3A_157, %scan3A_158 : i32
        %scan3A_160 = arith.constant 1 : i32
        %scan3A_161:8 = scf.for %scan3A_207 = %scan3A_157 to %scan3A_159 step %scan3A_160 iter_args(%scan3A_208 = %get3A_114, %scan3A_209 = %get3A_120, %scan3A_210 = %get3A_126, %scan3A_211 = %get3A_132, %scan3A_212 = %get3A_138, %scan3A_213 = %get3A_144, %scan3A_214 = %get3A_150, %scan3A_215 = %get3A_156) -> (vector<16xf32>, vector<16xf32>, vector<16xf32>, vector<16xf32>, vector<16xf32>, vector<16xf32>, vector<16xf32>, vector<16xf32>)  : i32 {
          %add3A_216 = arith.addi %mul3A_109, %scan3A_207 : i32
          %get3A_217 = arith.constant 0 : i32
          %get3A_218 = arith.index_cast %get3A_217 : i32 to index
          %get3A_219 = arith.index_cast %add3A_216 : i32 to index
          %get3A_220 = arith.constant 0 : index
          %get3A_221 = tpu.vector_load %arg10[%get3A_218, %get3A_219, %get3A_220] {strides = array<i32>} : memref<2x128x128xf32, #tpu.memory_space<vmem>>, vector<1x1x16xf32>,
          %get3A_222 = vector.shape_cast %get3A_221 : vector<1x1x16xf32> to vector<16xf32>
          %add3A_223 = arith.addf %scan3A_208, %get3A_222 : vector<16xf32>
          %add3A_224 = arith.addi %mul3A_109, %scan3A_207 : i32
          %get3A_225 = arith.constant 0 : i32
          %get3A_226 = arith.index_cast %get3A_225 : i32 to index
          %get3A_227 = arith.index_cast %add3A_224 : i32 to index
          %get3A_228 = arith.constant 16 : index
          %get3A_229 = tpu.vector_load %arg10[%get3A_226, %get3A_227, %get3A_228] {strides = array<i32>} : memref<2x128x128xf32, #tpu.memory_space<vmem>>, vector<1x1x16xf32>,
          %get3A_230 = vector.shape_cast %get3A_229 : vector<1x1x16xf32> to vector<16xf32>
          %add3A_231 = arith.addf %scan3A_209, %get3A_230 : vector<16xf32>
          %add3A_232 = arith.addi %mul3A_109, %scan3A_207 : i32
          %get3A_233 = arith.constant 0 : i32
          %get3A_234 = arith.index_cast %get3A_233 : i32 to index
          %get3A_235 = arith.index_cast %add3A_232 : i32 to index
          %get3A_236 = arith.constant 32 : index
          %get3A_237 = tpu.vector_load %arg10[%get3A_234, %get3A_235, %get3A_236] {strides = array<i32>} : memref<2x128x128xf32, #tpu.memory_space<vmem>>, vector<1x1x16xf32>,
          %get3A_238 = vector.shape_cast %get3A_237 : vector<1x1x16xf32> to vector<16xf32>
          %add3A_239 = arith.addf %scan3A_210, %get3A_238 : vector<16xf32>
          %add3A_240 = arith.addi %mul3A_109, %scan3A_207 : i32
          %get3A_241 = arith.constant 0 : i32
          %get3A_242 = arith.index_cast %get3A_241 : i32 to index
          %get3A_243 = arith.index_cast %add3A_240 : i32 to index
          %get3A_244 = arith.constant 48 : index
          %get3A_245 = tpu.vector_load %arg10[%get3A_242, %get3A_243, %get3A_244] {strides = array<i32>} : memref<2x128x128xf32, #tpu.memory_space<vmem>>, vector<1x1x16xf32>,
          %get3A_246 = vector.shape_cast %get3A_245 : vector<1x1x16xf32> to vector<16xf32>
          %add3A_247 = arith.addf %scan3A_211, %get3A_246 : vector<16xf32>
          %add3A_248 = arith.addi %mul3A_109, %scan3A_207 : i32
          %get3A_249 = arith.constant 0 : i32
          %get3A_250 = arith.index_cast %get3A_249 : i32 to index
          %get3A_251 = arith.index_cast %add3A_248 : i32 to index
          %get3A_252 = arith.constant 64 : index
          %get3A_253 = tpu.vector_load %arg10[%get3A_250, %get3A_251, %get3A_252] {strides = array<i32>} : memref<2x128x128xf32, #tpu.memory_space<vmem>>, vector<1x1x16xf32>,
          %get3A_254 = vector.shape_cast %get3A_253 : vector<1x1x16xf32> to vector<16xf32>
          %add3A_255 = arith.addf %scan3A_212, %get3A_254 : vector<16xf32>
          %add3A_256 = arith.addi %mul3A_109, %scan3A_207 : i32
          %get3A_257 = arith.constant 0 : i32
          %get3A_258 = arith.index_cast %get3A_257 : i32 to index
          %get3A_259 = arith.index_cast %add3A_256 : i32 to index
          %get3A_260 = arith.constant 80 : index
          %get3A_261 = tpu.vector_load %arg10[%get3A_258, %get3A_259, %get3A_260] {strides = array<i32>} : memref<2x128x128xf32, #tpu.memory_space<vmem>>, vector<1x1x16xf32>,
          %get3A_262 = vector.shape_cast %get3A_261 : vector<1x1x16xf32> to vector<16xf32>
          %add3A_263 = arith.addf %scan3A_213, %get3A_262 : vector<16xf32>
          %add3A_264 = arith.addi %mul3A_109, %scan3A_207 : i32
          %get3A_265 = arith.constant 0 : i32
          %get3A_266 = arith.index_cast %get3A_265 : i32 to index
          %get3A_267 = arith.index_cast %add3A_264 : i32 to index
          %get3A_268 = arith.constant 96 : index
          %get3A_269 = tpu.vector_load %arg10[%get3A_266, %get3A_267, %get3A_268] {strides = array<i32>} : memref<2x128x128xf32, #tpu.memory_space<vmem>>, vector<1x1x16xf32>,
          %get3A_270 = vector.shape_cast %get3A_269 : vector<1x1x16xf32> to vector<16xf32>
          %add3A_271 = arith.addf %scan3A_214, %get3A_270 : vector<16xf32>
          %add3A_272 = arith.addi %mul3A_109, %scan3A_207 : i32
          %get3A_273 = arith.constant 0 : i32
          %get3A_274 = arith.index_cast %get3A_273 : i32 to index
          %get3A_275 = arith.index_cast %add3A_272 : i32 to index
          %get3A_276 = arith.constant 112 : index
          %get3A_277 = tpu.vector_load %arg10[%get3A_274, %get3A_275, %get3A_276] {strides = array<i32>} : memref<2x128x128xf32, #tpu.memory_space<vmem>>, vector<1x1x16xf32>,
          %get3A_278 = vector.shape_cast %get3A_277 : vector<1x1x16xf32> to vector<16xf32>
          %add3A_279 = arith.addf %scan3A_215, %get3A_278 : vector<16xf32>
          scf.yield %add3A_223, %add3A_231, %add3A_239, %add3A_247, %add3A_255, %add3A_263, %add3A_271, %add3A_279 : vector<16xf32>, vector<16xf32>, vector<16xf32>, vector<16xf32>, vector<16xf32>, vector<16xf32>, vector<16xf32>, vector<16xf32>
        }
        %scan3A_162 = arith.constant 15 : i32
        %rem3A_163 = arith.constant 8 : i32
        %rem3A_164 = arith.remsi %mul3A_46, %rem3A_163 : i32
        %mul3A_165 = arith.constant 8 : i32
        %mul3A_166 = arith.muli %rem3A_164, %mul3A_165 : i32
        %add3A_167 = arith.addi %mul3A_166, %scan3A_107 : i32
        %swap3A = arith.index_cast %add3A_167 : i32 to index
        %swap3A_168 = arith.constant 0 : index
        %swap3A_169 = tpu.vector_load %arg11[%swap3A, %swap3A_168] {strides = array<i32>} : memref<64x128xf32, #tpu.memory_space<vmem>>, vector<1x16xf32>,
        %swap3A_170 = vector.shape_cast %swap3A_169 : vector<1x16xf32> to vector<16xf32>
        %swap3A_171 = vector.shape_cast %scan3A_161#0 : vector<16xf32> to vector<1x16xf32>
        tpu.vector_store %arg11[%swap3A, %swap3A_168], %swap3A_171 {strides = array<i32>} : memref<64x128xf32, #tpu.memory_space<vmem>>, vector<1x16xf32>,
        %swap3A_172 = arith.index_cast %add3A_167 : i32 to index
        %swap3A_173 = arith.constant 16 : index
        %swap3A_174 = tpu.vector_load %arg11[%swap3A_172, %swap3A_173] {strides = array<i32>} : memref<64x128xf32, #tpu.memory_space<vmem>>, vector<1x16xf32>,
        %swap3A_175 = vector.shape_cast %swap3A_174 : vector<1x16xf32> to vector<16xf32>
        %swap3A_176 = vector.shape_cast %scan3A_161#1 : vector<16xf32> to vector<1x16xf32>
        tpu.vector_store %arg11[%swap3A_172, %swap3A_173], %swap3A_176 {strides = array<i32>} : memref<64x128xf32, #tpu.memory_space<vmem>>, vector<1x16xf32>,
        %swap3A_177 = arith.index_cast %add3A_167 : i32 to index
        %swap3A_178 = arith.constant 32 : index
        %swap3A_179 = tpu.vector_load %arg11[%swap3A_177, %swap3A_178] {strides = array<i32>} : memref<64x128xf32, #tpu.memory_space<vmem>>, vector<1x16xf32>,
        %swap3A_180 = vector.shape_cast %swap3A_179 : vector<1x16xf32> to vector<16xf32>
        %swap3A_181 = vector.shape_cast %scan3A_161#2 : vector<16xf32> to vector<1x16xf32>
        tpu.vector_store %arg11[%swap3A_177, %swap3A_178], %swap3A_181 {strides = array<i32>} : memref<64x128xf32, #tpu.memory_space<vmem>>, vector<1x16xf32>,
        %swap3A_182 = arith.index_cast %add3A_167 : i32 to index
        %swap3A_183 = arith.constant 48 : index
        %swap3A_184 = tpu.vector_load %arg11[%swap3A_182, %swap3A_183] {strides = array<i32>} : memref<64x128xf32, #tpu.memory_space<vmem>>, vector<1x16xf32>,
        %swap3A_185 = vector.shape_cast %swap3A_184 : vector<1x16xf32> to vector<16xf32>
        %swap3A_186 = vector.shape_cast %scan3A_161#3 : vector<16xf32> to vector<1x16xf32>
        tpu.vector_store %arg11[%swap3A_182, %swap3A_183], %swap3A_186 {strides = array<i32>} : memref<64x128xf32, #tpu.memory_space<vmem>>, vector<1x16xf32>,
        %swap3A_187 = arith.index_cast %add3A_167 : i32 to index
        %swap3A_188 = arith.constant 64 : index
        %swap3A_189 = tpu.vector_load %arg11[%swap3A_187, %swap3A_188] {strides = array<i32>} : memref<64x128xf32, #tpu.memory_space<vmem>>, vector<1x16xf32>,
        %swap3A_190 = vector.shape_cast %swap3A_189 : vector<1x16xf32> to vector<16xf32>
        %swap3A_191 = vector.shape_cast %scan3A_161#4 : vector<16xf32> to vector<1x16xf32>
        tpu.vector_store %arg11[%swap3A_187, %swap3A_188], %swap3A_191 {strides = array<i32>} : memref<64x128xf32, #tpu.memory_space<vmem>>, vector<1x16xf32>,
        %swap3A_192 = arith.index_cast %add3A_167 : i32 to index
        %swap3A_193 = arith.constant 80 : index
        %swap3A_194 = tpu.vector_load %arg11[%swap3A_192, %swap3A_193] {strides = array<i32>} : memref<64x128xf32, #tpu.memory_space<vmem>>, vector<1x16xf32>,
        %swap3A_195 = vector.shape_cast %swap3A_194 : vector<1x16xf32> to vector<16xf32>
        %swap3A_196 = vector.shape_cast %scan3A_161#5 : vector<16xf32> to vector<1x16xf32>
        tpu.vector_store %arg11[%swap3A_192, %swap3A_193], %swap3A_196 {strides = array<i32>} : memref<64x128xf32, #tpu.memory_space<vmem>>, vector<1x16xf32>,
        %swap3A_197 = arith.index_cast %add3A_167 : i32 to index
        %swap3A_198 = arith.constant 96 : index
        %swap3A_199 = tpu.vector_load %arg11[%swap3A_197, %swap3A_198] {strides = array<i32>} : memref<64x128xf32, #tpu.memory_space<vmem>>, vector<1x16xf32>,
        %swap3A_200 = vector.shape_cast %swap3A_199 : vector<1x16xf32> to vector<16xf32>
        %swap3A_201 = vector.shape_cast %scan3A_161#6 : vector<16xf32> to vector<1x16xf32>
        tpu.vector_store %arg11[%swap3A_197, %swap3A_198], %swap3A_201 {strides = array<i32>} : memref<64x128xf32, #tpu.memory_space<vmem>>, vector<1x16xf32>,
        %swap3A_202 = arith.index_cast %add3A_167 : i32 to index
        %swap3A_203 = arith.constant 112 : index
        %swap3A_204 = tpu.vector_load %arg11[%swap3A_202, %swap3A_203] {strides = array<i32>} : memref<64x128xf32, #tpu.memory_space<vmem>>, vector<1x16xf32>,
        %swap3A_205 = vector.shape_cast %swap3A_204 : vector<1x16xf32> to vector<16xf32>
        %swap3A_206 = vector.shape_cast %scan3A_161#7 : vector<16xf32> to vector<1x16xf32>
        tpu.vector_store %arg11[%swap3A_202, %swap3A_203], %swap3A_206 {strides = array<i32>} : memref<64x128xf32, #tpu.memory_space<vmem>>, vector<1x16xf32>,
      }
      %scan3A_76 = arith.constant 8 : i32
      %add3A_77 = arith.constant 1 : i32
      %add3A_78 = arith.addi %scan3A_44, %add3A_77 : i32
      %lt3A = arith.constant 32 : i32
      %lt3A_79 = arith.cmpi slt, %add3A_78, %lt3A : i32
      %convert_element_type3A = arith.extui %lt3A_79 : i1 to i32
      %cond3A = arith.constant 0 : i32
      %cond3A_80 = arith.cmpi ne, %convert_element_type3A, %cond3A : i32
      scf.if %cond3A_80 {
        %add3A_107 = arith.constant 2 : i32
        %add3A_108 = arith.addi %mul3A_46, %add3A_107 : i32
        %dma_start3A_109 = arith.constant 0 : i32
        %dma_start3A_110 = arith.constant 0 : i32
        %dma_start3A_111 = arith.constant 0 : i32
        %dma_start3A_112 = tpu.memref_slice %arg10[%dma_start3A_109, %dma_start3A_110, %dma_start3A_111] : memref<2x128x128xf32, #tpu.memory_space<vmem>> -> memref<1x128x128xf32, #tpu.memory_space<vmem>>
        %dma_start3A_113 = tpu.memref_squeeze %dma_start3A_112 : memref<1x128x128xf32, #tpu.memory_space<vmem>> -> memref<128x128xf32, #tpu.memory_space<vmem>>
        %dma_start3A_114 = arith.constant 0 : i32
        %dma_start3A_115 = tpu.memref_slice %arg8[%add3A_108, %dma_start3A_114] : memref<64x128xi32, #tpu.memory_space<vmem>> -> memref<1x128xi32, #tpu.memory_space<vmem>>
        %dma_start3A_116 = tpu.memref_squeeze %dma_start3A_115 : memref<1x128xi32, #tpu.memory_space<vmem>> -> memref<128xi32, #tpu.memory_space<vmem>>
        %dma_start3A_117 = arith.constant 0 : i32
        %dma_start3A_118 = arith.constant 0 : i32
        %dma_start3A_119 = tpu.memref_slice %arg2[%dma_start3A_117, %dma_start3A_118] : memref<400000x128xf32, #tpu.memory_space<hbm>> -> memref<400000x128xf32, #tpu.memory_space<hbm>>
        tpu.enqueue_indirect_dma source(%dma_start3A_119 : memref<400000x128xf32, #tpu.memory_space<hbm>>) target(%dma_start3A_113 : memref<128x128xf32, #tpu.memory_space<vmem>>) offsets(%dma_start3A_116 : memref<128xi32, #tpu.memory_space<vmem>>) semaphore(%arg12 : memref<!tpu.dma_semaphore, #tpu.memory_space<semaphore_mem>>)
      } else {
      }
      %add3A_81 = arith.constant 1 : i32
      %add3A_82 = arith.addi %mul3A_46, %add3A_81 : i32
      %dma_wait3A_83 = arith.constant 1 : i32
      %dma_wait3A_84 = arith.constant 0 : i32
      %dma_wait3A_85 = arith.constant 0 : i32
      %dma_wait3A_86 = tpu.memref_slice %arg10[%dma_wait3A_83, %dma_wait3A_84, %dma_wait3A_85] : memref<2x128x128xf32, #tpu.memory_space<vmem>> -> memref<1x128x128xf32, #tpu.memory_space<vmem>>
      %dma_wait3A_87 = tpu.memref_squeeze %dma_wait3A_86 : memref<1x128x128xf32, #tpu.memory_space<vmem>> -> memref<128x128xf32, #tpu.memory_space<vmem>>
      %dma_wait3A_88 = arith.constant 0 : i32
      %dma_wait3A_89 = tpu.memref_slice %arg8[%add3A_82, %dma_wait3A_88] : memref<64x128xi32, #tpu.memory_space<vmem>> -> memref<1x128xi32, #tpu.memory_space<vmem>>
      %dma_wait3A_90 = tpu.memref_squeeze %dma_wait3A_89 : memref<1x128xi32, #tpu.memory_space<vmem>> -> memref<128xi32, #tpu.memory_space<vmem>>
      %dma_wait3A_91 = arith.constant 0 : i32
      %dma_wait3A_92 = arith.constant 0 : i32
      %dma_wait3A_93 = tpu.memref_slice %arg2[%dma_wait3A_91, %dma_wait3A_92] : memref<400000x128xf32, #tpu.memory_space<hbm>> -> memref<400000x128xf32, #tpu.memory_space<hbm>>
      tpu.wait_indirect_dma semaphore(%arg13 : memref<!tpu.dma_semaphore, #tpu.memory_space<semaphore_mem>>) src(%dma_wait3A_93 : memref<400000x128xf32, #tpu.memory_space<hbm>>) dst(%dma_wait3A_87 : memref<128x128xf32, #tpu.memory_space<vmem>>)
      %add3A_94 = arith.constant 1 : i32
      %add3A_95 = arith.addi %mul3A_46, %add3A_94 : i32
      %scan3A_96 = arith.constant 0 : i32
      %scan3A_97 = arith.constant 0 : i32
      %scan3A_98 = arith.constant 8 : i32
      %scan3A_99 = arith.addi %scan3A_97, %scan3A_98 : i32
      %scan3A_100 = arith.constant 1 : i32
      scf.for %scan3A_107 = %scan3A_97 to %scan3A_99 step %scan3A_100  : i32 {
        %mul3A_108 = arith.constant 16 : i32
        %mul3A_109 = arith.muli %scan3A_107, %mul3A_108 : i32
        %get3A = arith.constant 1 : i32
        %get3A_110 = arith.index_cast %get3A : i32 to index
        %get3A_111 = arith.index_cast %mul3A_109 : i32 to index
        %get3A_112 = arith.constant 0 : index
        %get3A_113 = tpu.vector_load %arg10[%get3A_110, %get3A_111, %get3A_112] {strides = array<i32>} : memref<2x128x128xf32, #tpu.memory_space<vmem>>, vector<1x1x16xf32>,
        %get3A_114 = vector.shape_cast %get3A_113 : vector<1x1x16xf32> to vector<16xf32>
        %get3A_115 = arith.constant 1 : i32
        %get3A_116 = arith.index_cast %get3A_115 : i32 to index
        %get3A_117 = arith.index_cast %mul3A_109 : i32 to index
        %get3A_118 = arith.constant 16 : index
        %get3A_119 = tpu.vector_load %arg10[%get3A_116, %get3A_117, %get3A_118] {strides = array<i32>} : memref<2x128x128xf32, #tpu.memory_space<vmem>>, vector<1x1x16xf32>,
        %get3A_120 = vector.shape_cast %get3A_119 : vector<1x1x16xf32> to vector<16xf32>
        %get3A_121 = arith.constant 1 : i32
        %get3A_122 = arith.index_cast %get3A_121 : i32 to index
        %get3A_123 = arith.index_cast %mul3A_109 : i32 to index
        %get3A_124 = arith.constant 32 : index
        %get3A_125 = tpu.vector_load %arg10[%get3A_122, %get3A_123, %get3A_124] {strides = array<i32>} : memref<2x128x128xf32, #tpu.memory_space<vmem>>, vector<1x1x16xf32>,
        %get3A_126 = vector.shape_cast %get3A_125 : vector<1x1x16xf32> to vector<16xf32>
        %get3A_127 = arith.constant 1 : i32
        %get3A_128 = arith.index_cast %get3A_127 : i32 to index
        %get3A_129 = arith.index_cast %mul3A_109 : i32 to index
        %get3A_130 = arith.constant 48 : index
        %get3A_131 = tpu.vector_load %arg10[%get3A_128, %get3A_129, %get3A_130] {strides = array<i32>} : memref<2x128x128xf32, #tpu.memory_space<vmem>>, vector<1x1x16xf32>,
        %get3A_132 = vector.shape_cast %get3A_131 : vector<1x1x16xf32> to vector<16xf32>
        %get3A_133 = arith.constant 1 : i32
        %get3A_134 = arith.index_cast %get3A_133 : i32 to index
        %get3A_135 = arith.index_cast %mul3A_109 : i32 to index
        %get3A_136 = arith.constant 64 : index
        %get3A_137 = tpu.vector_load %arg10[%get3A_134, %get3A_135, %get3A_136] {strides = array<i32>} : memref<2x128x128xf32, #tpu.memory_space<vmem>>, vector<1x1x16xf32>,
        %get3A_138 = vector.shape_cast %get3A_137 : vector<1x1x16xf32> to vector<16xf32>
        %get3A_139 = arith.constant 1 : i32
        %get3A_140 = arith.index_cast %get3A_139 : i32 to index
        %get3A_141 = arith.index_cast %mul3A_109 : i32 to index
        %get3A_142 = arith.constant 80 : index
        %get3A_143 = tpu.vector_load %arg10[%get3A_140, %get3A_141, %get3A_142] {strides = array<i32>} : memref<2x128x128xf32, #tpu.memory_space<vmem>>, vector<1x1x16xf32>,
        %get3A_144 = vector.shape_cast %get3A_143 : vector<1x1x16xf32> to vector<16xf32>
        %get3A_145 = arith.constant 1 : i32
        %get3A_146 = arith.index_cast %get3A_145 : i32 to index
        %get3A_147 = arith.index_cast %mul3A_109 : i32 to index
        %get3A_148 = arith.constant 96 : index
        %get3A_149 = tpu.vector_load %arg10[%get3A_146, %get3A_147, %get3A_148] {strides = array<i32>} : memref<2x128x128xf32, #tpu.memory_space<vmem>>, vector<1x1x16xf32>,
        %get3A_150 = vector.shape_cast %get3A_149 : vector<1x1x16xf32> to vector<16xf32>
        %get3A_151 = arith.constant 1 : i32
        %get3A_152 = arith.index_cast %get3A_151 : i32 to index
        %get3A_153 = arith.index_cast %mul3A_109 : i32 to index
        %get3A_154 = arith.constant 112 : index
        %get3A_155 = tpu.vector_load %arg10[%get3A_152, %get3A_153, %get3A_154] {strides = array<i32>} : memref<2x128x128xf32, #tpu.memory_space<vmem>>, vector<1x1x16xf32>,
        %get3A_156 = vector.shape_cast %get3A_155 : vector<1x1x16xf32> to vector<16xf32>
        %scan3A_157 = arith.constant 1 : i32
        %scan3A_158 = arith.constant 15 : i32
        %scan3A_159 = arith.addi %scan3A_157, %scan3A_158 : i32
        %scan3A_160 = arith.constant 1 : i32
        %scan3A_161:8 = scf.for %scan3A_207 = %scan3A_157 to %scan3A_159 step %scan3A_160 iter_args(%scan3A_208 = %get3A_114, %scan3A_209 = %get3A_120, %scan3A_210 = %get3A_126, %scan3A_211 = %get3A_132, %scan3A_212 = %get3A_138, %scan3A_213 = %get3A_144, %scan3A_214 = %get3A_150, %scan3A_215 = %get3A_156) -> (vector<16xf32>, vector<16xf32>, vector<16xf32>, vector<16xf32>, vector<16xf32>, vector<16xf32>, vector<16xf32>, vector<16xf32>)  : i32 {
          %add3A_216 = arith.addi %mul3A_109, %scan3A_207 : i32
          %get3A_217 = arith.constant 1 : i32
          %get3A_218 = arith.index_cast %get3A_217 : i32 to index
          %get3A_219 = arith.index_cast %add3A_216 : i32 to index
          %get3A_220 = arith.constant 0 : index
          %get3A_221 = tpu.vector_load %arg10[%get3A_218, %get3A_219, %get3A_220] {strides = array<i32>} : memref<2x128x128xf32, #tpu.memory_space<vmem>>, vector<1x1x16xf32>,
          %get3A_222 = vector.shape_cast %get3A_221 : vector<1x1x16xf32> to vector<16xf32>
          %add3A_223 = arith.addf %scan3A_208, %get3A_222 : vector<16xf32>
          %add3A_224 = arith.addi %mul3A_109, %scan3A_207 : i32
          %get3A_225 = arith.constant 1 : i32
          %get3A_226 = arith.index_cast %get3A_225 : i32 to index
          %get3A_227 = arith.index_cast %add3A_224 : i32 to index
          %get3A_228 = arith.constant 16 : index
          %get3A_229 = tpu.vector_load %arg10[%get3A_226, %get3A_227, %get3A_228] {strides = array<i32>} : memref<2x128x128xf32, #tpu.memory_space<vmem>>, vector<1x1x16xf32>,
          %get3A_230 = vector.shape_cast %get3A_229 : vector<1x1x16xf32> to vector<16xf32>
          %add3A_231 = arith.addf %scan3A_209, %get3A_230 : vector<16xf32>
          %add3A_232 = arith.addi %mul3A_109, %scan3A_207 : i32
          %get3A_233 = arith.constant 1 : i32
          %get3A_234 = arith.index_cast %get3A_233 : i32 to index
          %get3A_235 = arith.index_cast %add3A_232 : i32 to index
          %get3A_236 = arith.constant 32 : index
          %get3A_237 = tpu.vector_load %arg10[%get3A_234, %get3A_235, %get3A_236] {strides = array<i32>} : memref<2x128x128xf32, #tpu.memory_space<vmem>>, vector<1x1x16xf32>,
          %get3A_238 = vector.shape_cast %get3A_237 : vector<1x1x16xf32> to vector<16xf32>
          %add3A_239 = arith.addf %scan3A_210, %get3A_238 : vector<16xf32>
          %add3A_240 = arith.addi %mul3A_109, %scan3A_207 : i32
          %get3A_241 = arith.constant 1 : i32
          %get3A_242 = arith.index_cast %get3A_241 : i32 to index
          %get3A_243 = arith.index_cast %add3A_240 : i32 to index
          %get3A_244 = arith.constant 48 : index
          %get3A_245 = tpu.vector_load %arg10[%get3A_242, %get3A_243, %get3A_244] {strides = array<i32>} : memref<2x128x128xf32, #tpu.memory_space<vmem>>, vector<1x1x16xf32>,
          %get3A_246 = vector.shape_cast %get3A_245 : vector<1x1x16xf32> to vector<16xf32>
          %add3A_247 = arith.addf %scan3A_211, %get3A_246 : vector<16xf32>
          %add3A_248 = arith.addi %mul3A_109, %scan3A_207 : i32
          %get3A_249 = arith.constant 1 : i32
          %get3A_250 = arith.index_cast %get3A_249 : i32 to index
          %get3A_251 = arith.index_cast %add3A_248 : i32 to index
          %get3A_252 = arith.constant 64 : index
          %get3A_253 = tpu.vector_load %arg10[%get3A_250, %get3A_251, %get3A_252] {strides = array<i32>} : memref<2x128x128xf32, #tpu.memory_space<vmem>>, vector<1x1x16xf32>,
          %get3A_254 = vector.shape_cast %get3A_253 : vector<1x1x16xf32> to vector<16xf32>
          %add3A_255 = arith.addf %scan3A_212, %get3A_254 : vector<16xf32>
          %add3A_256 = arith.addi %mul3A_109, %scan3A_207 : i32
          %get3A_257 = arith.constant 1 : i32
          %get3A_258 = arith.index_cast %get3A_257 : i32 to index
          %get3A_259 = arith.index_cast %add3A_256 : i32 to index
          %get3A_260 = arith.constant 80 : index
          %get3A_261 = tpu.vector_load %arg10[%get3A_258, %get3A_259, %get3A_260] {strides = array<i32>} : memref<2x128x128xf32, #tpu.memory_space<vmem>>, vector<1x1x16xf32>,
          %get3A_262 = vector.shape_cast %get3A_261 : vector<1x1x16xf32> to vector<16xf32>
          %add3A_263 = arith.addf %scan3A_213, %get3A_262 : vector<16xf32>
          %add3A_264 = arith.addi %mul3A_109, %scan3A_207 : i32
          %get3A_265 = arith.constant 1 : i32
          %get3A_266 = arith.index_cast %get3A_265 : i32 to index
          %get3A_267 = arith.index_cast %add3A_264 : i32 to index
          %get3A_268 = arith.constant 96 : index
          %get3A_269 = tpu.vector_load %arg10[%get3A_266, %get3A_267, %get3A_268] {strides = array<i32>} : memref<2x128x128xf32, #tpu.memory_space<vmem>>, vector<1x1x16xf32>,
          %get3A_270 = vector.shape_cast %get3A_269 : vector<1x1x16xf32> to vector<16xf32>
          %add3A_271 = arith.addf %scan3A_214, %get3A_270 : vector<16xf32>
          %add3A_272 = arith.addi %mul3A_109, %scan3A_207 : i32
          %get3A_273 = arith.constant 1 : i32
          %get3A_274 = arith.index_cast %get3A_273 : i32 to index
          %get3A_275 = arith.index_cast %add3A_272 : i32 to index
          %get3A_276 = arith.constant 112 : index
          %get3A_277 = tpu.vector_load %arg10[%get3A_274, %get3A_275, %get3A_276] {strides = array<i32>} : memref<2x128x128xf32, #tpu.memory_space<vmem>>, vector<1x1x16xf32>,
          %get3A_278 = vector.shape_cast %get3A_277 : vector<1x1x16xf32> to vector<16xf32>
          %add3A_279 = arith.addf %scan3A_215, %get3A_278 : vector<16xf32>
          scf.yield %add3A_223, %add3A_231, %add3A_239, %add3A_247, %add3A_255, %add3A_263, %add3A_271, %add3A_279 : vector<16xf32>, vector<16xf32>, vector<16xf32>, vector<16xf32>, vector<16xf32>, vector<16xf32>, vector<16xf32>, vector<16xf32>
        }
        %scan3A_162 = arith.constant 15 : i32
        %rem3A_163 = arith.constant 8 : i32
        %rem3A_164 = arith.remsi %add3A_95, %rem3A_163 : i32
        %mul3A_165 = arith.constant 8 : i32
        %mul3A_166 = arith.muli %rem3A_164, %mul3A_165 : i32
        %add3A_167 = arith.addi %mul3A_166, %scan3A_107 : i32
        %swap3A = arith.index_cast %add3A_167 : i32 to index
        %swap3A_168 = arith.constant 0 : index
        %swap3A_169 = tpu.vector_load %arg11[%swap3A, %swap3A_168] {strides = array<i32>} : memref<64x128xf32, #tpu.memory_space<vmem>>, vector<1x16xf32>,
        %swap3A_170 = vector.shape_cast %swap3A_169 : vector<1x16xf32> to vector<16xf32>
        %swap3A_171 = vector.shape_cast %scan3A_161#0 : vector<16xf32> to vector<1x16xf32>
        tpu.vector_store %arg11[%swap3A, %swap3A_168], %swap3A_171 {strides = array<i32>} : memref<64x128xf32, #tpu.memory_space<vmem>>, vector<1x16xf32>,
        %swap3A_172 = arith.index_cast %add3A_167 : i32 to index
        %swap3A_173 = arith.constant 16 : index
        %swap3A_174 = tpu.vector_load %arg11[%swap3A_172, %swap3A_173] {strides = array<i32>} : memref<64x128xf32, #tpu.memory_space<vmem>>, vector<1x16xf32>,
        %swap3A_175 = vector.shape_cast %swap3A_174 : vector<1x16xf32> to vector<16xf32>
        %swap3A_176 = vector.shape_cast %scan3A_161#1 : vector<16xf32> to vector<1x16xf32>
        tpu.vector_store %arg11[%swap3A_172, %swap3A_173], %swap3A_176 {strides = array<i32>} : memref<64x128xf32, #tpu.memory_space<vmem>>, vector<1x16xf32>,
        %swap3A_177 = arith.index_cast %add3A_167 : i32 to index
        %swap3A_178 = arith.constant 32 : index
        %swap3A_179 = tpu.vector_load %arg11[%swap3A_177, %swap3A_178] {strides = array<i32>} : memref<64x128xf32, #tpu.memory_space<vmem>>, vector<1x16xf32>,
        %swap3A_180 = vector.shape_cast %swap3A_179 : vector<1x16xf32> to vector<16xf32>
        %swap3A_181 = vector.shape_cast %scan3A_161#2 : vector<16xf32> to vector<1x16xf32>
        tpu.vector_store %arg11[%swap3A_177, %swap3A_178], %swap3A_181 {strides = array<i32>} : memref<64x128xf32, #tpu.memory_space<vmem>>, vector<1x16xf32>,
        %swap3A_182 = arith.index_cast %add3A_167 : i32 to index
        %swap3A_183 = arith.constant 48 : index
        %swap3A_184 = tpu.vector_load %arg11[%swap3A_182, %swap3A_183] {strides = array<i32>} : memref<64x128xf32, #tpu.memory_space<vmem>>, vector<1x16xf32>,
        %swap3A_185 = vector.shape_cast %swap3A_184 : vector<1x16xf32> to vector<16xf32>
        %swap3A_186 = vector.shape_cast %scan3A_161#3 : vector<16xf32> to vector<1x16xf32>
        tpu.vector_store %arg11[%swap3A_182, %swap3A_183], %swap3A_186 {strides = array<i32>} : memref<64x128xf32, #tpu.memory_space<vmem>>, vector<1x16xf32>,
        %swap3A_187 = arith.index_cast %add3A_167 : i32 to index
        %swap3A_188 = arith.constant 64 : index
        %swap3A_189 = tpu.vector_load %arg11[%swap3A_187, %swap3A_188] {strides = array<i32>} : memref<64x128xf32, #tpu.memory_space<vmem>>, vector<1x16xf32>,
        %swap3A_190 = vector.shape_cast %swap3A_189 : vector<1x16xf32> to vector<16xf32>
        %swap3A_191 = vector.shape_cast %scan3A_161#4 : vector<16xf32> to vector<1x16xf32>
        tpu.vector_store %arg11[%swap3A_187, %swap3A_188], %swap3A_191 {strides = array<i32>} : memref<64x128xf32, #tpu.memory_space<vmem>>, vector<1x16xf32>,
        %swap3A_192 = arith.index_cast %add3A_167 : i32 to index
        %swap3A_193 = arith.constant 80 : index
        %swap3A_194 = tpu.vector_load %arg11[%swap3A_192, %swap3A_193] {strides = array<i32>} : memref<64x128xf32, #tpu.memory_space<vmem>>, vector<1x16xf32>,
        %swap3A_195 = vector.shape_cast %swap3A_194 : vector<1x16xf32> to vector<16xf32>
        %swap3A_196 = vector.shape_cast %scan3A_161#5 : vector<16xf32> to vector<1x16xf32>
        tpu.vector_store %arg11[%swap3A_192, %swap3A_193], %swap3A_196 {strides = array<i32>} : memref<64x128xf32, #tpu.memory_space<vmem>>, vector<1x16xf32>,
        %swap3A_197 = arith.index_cast %add3A_167 : i32 to index
        %swap3A_198 = arith.constant 96 : index
        %swap3A_199 = tpu.vector_load %arg11[%swap3A_197, %swap3A_198] {strides = array<i32>} : memref<64x128xf32, #tpu.memory_space<vmem>>, vector<1x16xf32>,
        %swap3A_200 = vector.shape_cast %swap3A_199 : vector<1x16xf32> to vector<16xf32>
        %swap3A_201 = vector.shape_cast %scan3A_161#6 : vector<16xf32> to vector<1x16xf32>
        tpu.vector_store %arg11[%swap3A_197, %swap3A_198], %swap3A_201 {strides = array<i32>} : memref<64x128xf32, #tpu.memory_space<vmem>>, vector<1x16xf32>,
        %swap3A_202 = arith.index_cast %add3A_167 : i32 to index
        %swap3A_203 = arith.constant 112 : index
        %swap3A_204 = tpu.vector_load %arg11[%swap3A_202, %swap3A_203] {strides = array<i32>} : memref<64x128xf32, #tpu.memory_space<vmem>>, vector<1x16xf32>,
        %swap3A_205 = vector.shape_cast %swap3A_204 : vector<1x16xf32> to vector<16xf32>
        %swap3A_206 = vector.shape_cast %scan3A_161#7 : vector<16xf32> to vector<1x16xf32>
        tpu.vector_store %arg11[%swap3A_202, %swap3A_203], %swap3A_206 {strides = array<i32>} : memref<64x128xf32, #tpu.memory_space<vmem>>, vector<1x16xf32>,
      }
      %scan3A_101 = arith.constant 8 : i32
      %rem3A = arith.constant 4 : i32
      %rem3A_102 = arith.remsi %scan3A_44, %rem3A : i32
      %eq3A = arith.constant 3 : i32
      %eq3A_103 = arith.cmpi eq, %rem3A_102, %eq3A : i32
      %convert_element_type3A_104 = arith.extui %eq3A_103 : i1 to i32
      %cond3A_105 = arith.constant 0 : i32
      %cond3A_106 = arith.cmpi ne, %convert_element_type3A_104, %cond3A_105 : i32
      scf.if %cond3A_106 {
        %mul3A_107 = arith.constant 512 : i32
        %mul3A_108 = arith.muli %add3A, %mul3A_107 : i32
        %add3A_109 = arith.constant 1 : i32
        %add3A_110 = arith.addi %mul3A_46, %add3A_109 : i32
        %sub3A = arith.constant 7 : i32
        %sub3A_111 = arith.subi %add3A_110, %sub3A : i32
        %mul3A_112 = arith.constant 8 : i32
        %mul3A_113 = arith.muli %sub3A_111, %mul3A_112 : i32
        %add3A_114 = arith.addi %mul3A_108, %mul3A_113 : i32
        "tpu.region"() ({
          %run_scoped3A_115 = tpu.sem_alloc : memref<!tpu.dma_semaphore, #tpu.memory_space<semaphore_mem>>
          %dma_start3A_116 = arith.constant 0 : i32
          %dma_start3A_117 = tpu.memref_slice %arg6[%add3A_114, %dma_start3A_116] : memref<16384x128xf32, #tpu.memory_space<hbm>> -> memref<64x128xf32, #tpu.memory_space<hbm>>
          %dma_start3A_118 = arith.constant 0 : i32
          %dma_start3A_119 = tpu.memref_slice %arg6[%add3A_114, %dma_start3A_118] : memref<16384x128xf32, #tpu.memory_space<hbm>> -> memref<64x128xf32, #tpu.memory_space<hbm>>
          tpu.enqueue_dma source(%arg11 : memref<64x128xf32, #tpu.memory_space<vmem>>) target(%dma_start3A_119 : memref<64x128xf32, #tpu.memory_space<hbm>>) target_semaphore(%run_scoped3A_115 : memref<!tpu.dma_semaphore, #tpu.memory_space<semaphore_mem>>)
          %dma_wait3A_120 = arith.constant 0 : i32
          %dma_wait3A_121 = tpu.memref_slice %arg6[%add3A_114, %dma_wait3A_120] : memref<16384x128xf32, #tpu.memory_space<hbm>> -> memref<64x128xf32, #tpu.memory_space<hbm>>
          %dma_wait3A_122 = arith.constant 0 : i32
          %dma_wait3A_123 = tpu.memref_slice %arg6[%add3A_114, %dma_wait3A_122] : memref<16384x128xf32, #tpu.memory_space<hbm>> -> memref<64x128xf32, #tpu.memory_space<hbm>>
          tpu.wait_dma2 semaphore(%run_scoped3A_115 : memref<!tpu.dma_semaphore, #tpu.memory_space<semaphore_mem>>) src(%arg11 : memref<64x128xf32, #tpu.memory_space<vmem>>) dst(%dma_wait3A_123 : memref<64x128xf32, #tpu.memory_space<hbm>>)
          tpu.yield
        }) : () -> ()
      } else {
      }
    }
    %scan3A_16 = arith.constant 32 : i32
    %dma_start3A_17 = arith.constant 0 : i32
    %dma_start3A_18 = arith.constant 0 : i32
    %dma_start3A_19 = arith.constant 0 : i32
    %dma_start3A_20 = arith.constant 0 : i32
    %dma_start3A_21 = tpu.memref_slice %arg10[%dma_start3A_18, %dma_start3A_19, %dma_start3A_20] : memref<2x128x128xf32, #tpu.memory_space<vmem>> -> memref<1x128x128xf32, #tpu.memory_space<vmem>>
    %dma_start3A_22 = tpu.memref_squeeze %dma_start3A_21 : memref<1x128x128xf32, #tpu.memory_space<vmem>> -> memref<128x128xf32, #tpu.memory_space<vmem>>
    %dma_start3A_23 = arith.constant 0 : i32
    %dma_start3A_24 = tpu.memref_slice %arg9[%dma_start3A_17, %dma_start3A_23] : memref<1x128xi32, #tpu.memory_space<vmem>> -> memref<1x128xi32, #tpu.memory_space<vmem>>
    %dma_start3A_25 = tpu.memref_squeeze %dma_start3A_24 : memref<1x128xi32, #tpu.memory_space<vmem>> -> memref<128xi32, #tpu.memory_space<vmem>>
    %dma_start3A_26 = arith.constant 0 : i32
    %dma_start3A_27 = arith.constant 0 : i32
    %dma_start3A_28 = tpu.memref_slice %arg4[%dma_start3A_26, %dma_start3A_27] : memref<100000x128xf32, #tpu.memory_space<hbm>> -> memref<100000x128xf32, #tpu.memory_space<hbm>>
    tpu.enqueue_indirect_dma source(%dma_start3A_28 : memref<100000x128xf32, #tpu.memory_space<hbm>>) target(%dma_start3A_22 : memref<128x128xf32, #tpu.memory_space<vmem>>) offsets(%dma_start3A_25 : memref<128xi32, #tpu.memory_space<vmem>>) semaphore(%arg12 : memref<!tpu.dma_semaphore, #tpu.memory_space<semaphore_mem>>)
    %dma_wait3A = arith.constant 0 : i32
    %dma_wait3A_29 = arith.constant 0 : i32
    %dma_wait3A_30 = arith.constant 0 : i32
    %dma_wait3A_31 = arith.constant 0 : i32
    %dma_wait3A_32 = tpu.memref_slice %arg10[%dma_wait3A_29, %dma_wait3A_30, %dma_wait3A_31] : memref<2x128x128xf32, #tpu.memory_space<vmem>> -> memref<1x128x128xf32, #tpu.memory_space<vmem>>
    %dma_wait3A_33 = tpu.memref_squeeze %dma_wait3A_32 : memref<1x128x128xf32, #tpu.memory_space<vmem>> -> memref<128x128xf32, #tpu.memory_space<vmem>>
    %dma_wait3A_34 = arith.constant 0 : i32
    %dma_wait3A_35 = tpu.memref_slice %arg9[%dma_wait3A, %dma_wait3A_34] : memref<1x128xi32, #tpu.memory_space<vmem>> -> memref<1x128xi32, #tpu.memory_space<vmem>>
    %dma_wait3A_36 = tpu.memref_squeeze %dma_wait3A_35 : memref<1x128xi32, #tpu.memory_space<vmem>> -> memref<128xi32, #tpu.memory_space<vmem>>
    %dma_wait3A_37 = arith.constant 0 : i32
    %dma_wait3A_38 = arith.constant 0 : i32
    %dma_wait3A_39 = tpu.memref_slice %arg4[%dma_wait3A_37, %dma_wait3A_38] : memref<100000x128xf32, #tpu.memory_space<hbm>> -> memref<100000x128xf32, #tpu.memory_space<hbm>>
    tpu.wait_indirect_dma semaphore(%arg12 : memref<!tpu.dma_semaphore, #tpu.memory_space<semaphore_mem>>) src(%dma_wait3A_39 : memref<100000x128xf32, #tpu.memory_space<hbm>>) dst(%dma_wait3A_33 : memref<128x128xf32, #tpu.memory_space<vmem>>)
    %mul3A_40 = arith.constant 128 : i32
    %mul3A_41 = arith.muli %add3A, %mul3A_40 : i32
    %add3A_42 = arith.constant 0 : i32
    %add3A_43 = arith.addi %mul3A_41, %add3A_42 : i32
    %run_scoped3A = arith.constant 0 : i32
    "tpu.region"() ({
      %run_scoped3A_44 = tpu.sem_alloc : memref<!tpu.dma_semaphore, #tpu.memory_space<semaphore_mem>>
      %dma_start3A_45 = arith.constant 0 : i32
      %dma_start3A_46 = arith.constant 0 : i32
      %dma_start3A_47 = tpu.memref_slice %arg10[%run_scoped3A, %dma_start3A_45, %dma_start3A_46] : memref<2x128x128xf32, #tpu.memory_space<vmem>> -> memref<1x128x128xf32, #tpu.memory_space<vmem>>
      %dma_start3A_48 = tpu.memref_squeeze %dma_start3A_47 : memref<1x128x128xf32, #tpu.memory_space<vmem>> -> memref<128x128xf32, #tpu.memory_space<vmem>>
      %dma_start3A_49 = arith.constant 0 : i32
      %dma_start3A_50 = tpu.memref_slice %arg7[%add3A_43, %dma_start3A_49] : memref<4096x128xf32, #tpu.memory_space<hbm>> -> memref<128x128xf32, #tpu.memory_space<hbm>>
      %dma_start3A_51 = arith.constant 0 : i32
      %dma_start3A_52 = tpu.memref_slice %arg7[%add3A_43, %dma_start3A_51] : memref<4096x128xf32, #tpu.memory_space<hbm>> -> memref<128x128xf32, #tpu.memory_space<hbm>>
      %dma_start3A_53 = arith.constant 0 : i32
      %dma_start3A_54 = arith.constant 0 : i32
      %dma_start3A_55 = tpu.memref_slice %arg10[%run_scoped3A, %dma_start3A_53, %dma_start3A_54] : memref<2x128x128xf32, #tpu.memory_space<vmem>> -> memref<1x128x128xf32, #tpu.memory_space<vmem>>
      %dma_start3A_56 = tpu.memref_squeeze %dma_start3A_55 : memref<1x128x128xf32, #tpu.memory_space<vmem>> -> memref<128x128xf32, #tpu.memory_space<vmem>>
      tpu.enqueue_dma source(%dma_start3A_56 : memref<128x128xf32, #tpu.memory_space<vmem>>) target(%dma_start3A_52 : memref<128x128xf32, #tpu.memory_space<hbm>>) target_semaphore(%run_scoped3A_44 : memref<!tpu.dma_semaphore, #tpu.memory_space<semaphore_mem>>)
      %dma_wait3A_57 = arith.constant 0 : i32
      %dma_wait3A_58 = arith.constant 0 : i32
      %dma_wait3A_59 = tpu.memref_slice %arg10[%run_scoped3A, %dma_wait3A_57, %dma_wait3A_58] : memref<2x128x128xf32, #tpu.memory_space<vmem>> -> memref<1x128x128xf32, #tpu.memory_space<vmem>>
      %dma_wait3A_60 = tpu.memref_squeeze %dma_wait3A_59 : memref<1x128x128xf32, #tpu.memory_space<vmem>> -> memref<128x128xf32, #tpu.memory_space<vmem>>
      %dma_wait3A_61 = arith.constant 0 : i32
      %dma_wait3A_62 = tpu.memref_slice %arg7[%add3A_43, %dma_wait3A_61] : memref<4096x128xf32, #tpu.memory_space<hbm>> -> memref<128x128xf32, #tpu.memory_space<hbm>>
      %dma_wait3A_63 = arith.constant 0 : i32
      %dma_wait3A_64 = tpu.memref_slice %arg7[%add3A_43, %dma_wait3A_63] : memref<4096x128xf32, #tpu.memory_space<hbm>> -> memref<128x128xf32, #tpu.memory_space<hbm>>
      %dma_wait3A_65 = arith.constant 0 : i32
      %dma_wait3A_66 = arith.constant 0 : i32
      %dma_wait3A_67 = tpu.memref_slice %arg10[%run_scoped3A, %dma_wait3A_65, %dma_wait3A_66] : memref<2x128x128xf32, #tpu.memory_space<vmem>> -> memref<1x128x128xf32, #tpu.memory_space<vmem>>
      %dma_wait3A_68 = tpu.memref_squeeze %dma_wait3A_67 : memref<1x128x128xf32, #tpu.memory_space<vmem>> -> memref<128x128xf32, #tpu.memory_space<vmem>>
      tpu.wait_dma2 semaphore(%run_scoped3A_44 : memref<!tpu.dma_semaphore, #tpu.memory_space<semaphore_mem>>) src(%dma_wait3A_68 : memref<128x128xf32, #tpu.memory_space<vmem>>) dst(%dma_wait3A_64 : memref<128x128xf32, #tpu.memory_space<hbm>>)
      tpu.yield
    }) : () -> ()
    return
  }
}

#map = affine_map<(d0, d1) -> (0, 0)>
#map1 = affine_map<(d0, d1) -> (0, 0, 0)>
module attributes {stable_mosaic.version = 14 : i64} {
  func.func @_sc_gather_body(%arg0: i32, %arg1: i32, %arg2: memref<400000x128xf32, #tpu.memory_space<hbm>>, %arg3: memref<32x64x128xi32, #tpu.memory_space<hbm>>, %arg4: memref<100000x128xf32, #tpu.memory_space<hbm>>, %arg5: memref<32x1x128xi32, #tpu.memory_space<hbm>>, %arg6: memref<16384x128xf32, #tpu.memory_space<hbm>>, %arg7: memref<4096x128xf32, #tpu.memory_space<hbm>>, %arg8: memref<64x128xi32, #tpu.memory_space<vmem>>, %arg9: memref<1x128xi32, #tpu.memory_space<vmem>>, %arg10: memref<2x128x128xf32, #tpu.memory_space<vmem>>, %arg11: memref<64x128xf32, #tpu.memory_space<vmem>>, %arg12: memref<!tpu.dma_semaphore, #tpu.memory_space<semaphore_mem>>, %arg13: memref<!tpu.dma_semaphore, #tpu.memory_space<semaphore_mem>>) attributes {dimension_semantics = [#tpu.dimension_semantics<core_parallel>, #tpu.dimension_semantics<subcore_parallel>], iteration_bounds = array<i64: 2, 16>, scalar_prefetch = 0 : i64, scratch_operands = 6 : i64, tpu.core_type = #tpu.core_type<sc_vector_subcore>, window_params = [{transform_indices = #map}, {transform_indices = #map1}, {transform_indices = #map}, {transform_indices = #map1}, {transform_indices = #map}, {transform_indices = #map}]} {
    %mul3A = arith.constant 2 : i32
    %mul3A_0 = arith.muli %arg1, %mul3A : i32
    %add3A = arith.addi %mul3A_0, %arg0 : i32
    "tpu.region"() ({
      %run_scoped3A_44 = tpu.sem_alloc : memref<!tpu.dma_semaphore, #tpu.memory_space<semaphore_mem>>
      %dma_start3A_45 = arith.constant 0 : i32
      %dma_start3A_46 = arith.constant 0 : i32
      %dma_start3A_47 = tpu.memref_slice %arg3[%add3A, %dma_start3A_45, %dma_start3A_46] : memref<32x64x128xi32, #tpu.memory_space<hbm>> -> memref<1x64x128xi32, #tpu.memory_space<hbm>>
      %dma_start3A_48 = tpu.memref_squeeze %dma_start3A_47 : memref<1x64x128xi32, #tpu.memory_space<hbm>> -> memref<64x128xi32, #tpu.memory_space<hbm>>
      %dma_start3A_49 = arith.constant 0 : i32
      %dma_start3A_50 = arith.constant 0 : i32
      %dma_start3A_51 = tpu.memref_slice %arg3[%add3A, %dma_start3A_49, %dma_start3A_50] : memref<32x64x128xi32, #tpu.memory_space<hbm>> -> memref<1x64x128xi32, #tpu.memory_space<hbm>>
      %dma_start3A_52 = tpu.memref_squeeze %dma_start3A_51 : memref<1x64x128xi32, #tpu.memory_space<hbm>> -> memref<64x128xi32, #tpu.memory_space<hbm>>
      tpu.enqueue_dma source(%dma_start3A_52 : memref<64x128xi32, #tpu.memory_space<hbm>>) target(%arg8 : memref<64x128xi32, #tpu.memory_space<vmem>>) target_semaphore(%run_scoped3A_44 : memref<!tpu.dma_semaphore, #tpu.memory_space<semaphore_mem>>)
      %dma_wait3A_53 = arith.constant 0 : i32
      %dma_wait3A_54 = arith.constant 0 : i32
      %dma_wait3A_55 = tpu.memref_slice %arg3[%add3A, %dma_wait3A_53, %dma_wait3A_54] : memref<32x64x128xi32, #tpu.memory_space<hbm>> -> memref<1x64x128xi32, #tpu.memory_space<hbm>>
      %dma_wait3A_56 = tpu.memref_squeeze %dma_wait3A_55 : memref<1x64x128xi32, #tpu.memory_space<hbm>> -> memref<64x128xi32, #tpu.memory_space<hbm>>
      %dma_wait3A_57 = arith.constant 0 : i32
      %dma_wait3A_58 = arith.constant 0 : i32
      %dma_wait3A_59 = tpu.memref_slice %arg3[%add3A, %dma_wait3A_57, %dma_wait3A_58] : memref<32x64x128xi32, #tpu.memory_space<hbm>> -> memref<1x64x128xi32, #tpu.memory_space<hbm>>
      %dma_wait3A_60 = tpu.memref_squeeze %dma_wait3A_59 : memref<1x64x128xi32, #tpu.memory_space<hbm>> -> memref<64x128xi32, #tpu.memory_space<hbm>>
      tpu.wait_dma2 semaphore(%run_scoped3A_44 : memref<!tpu.dma_semaphore, #tpu.memory_space<semaphore_mem>>) src(%dma_wait3A_60 : memref<64x128xi32, #tpu.memory_space<hbm>>) dst(%arg8 : memref<64x128xi32, #tpu.memory_space<vmem>>)
      tpu.yield
    }) : () -> ()
    "tpu.region"() ({
      %run_scoped3A_44 = tpu.sem_alloc : memref<!tpu.dma_semaphore, #tpu.memory_space<semaphore_mem>>
      %dma_start3A_45 = arith.constant 0 : i32
      %dma_start3A_46 = arith.constant 0 : i32
      %dma_start3A_47 = tpu.memref_slice %arg5[%add3A, %dma_start3A_45, %dma_start3A_46] : memref<32x1x128xi32, #tpu.memory_space<hbm>> -> memref<1x1x128xi32, #tpu.memory_space<hbm>>
      %dma_start3A_48 = tpu.memref_squeeze %dma_start3A_47 : memref<1x1x128xi32, #tpu.memory_space<hbm>> -> memref<1x128xi32, #tpu.memory_space<hbm>>
      %dma_start3A_49 = arith.constant 0 : i32
      %dma_start3A_50 = arith.constant 0 : i32
      %dma_start3A_51 = tpu.memref_slice %arg5[%add3A, %dma_start3A_49, %dma_start3A_50] : memref<32x1x128xi32, #tpu.memory_space<hbm>> -> memref<1x1x128xi32, #tpu.memory_space<hbm>>
      %dma_start3A_52 = tpu.memref_squeeze %dma_start3A_51 : memref<1x1x128xi32, #tpu.memory_space<hbm>> -> memref<1x128xi32, #tpu.memory_space<hbm>>
      tpu.enqueue_dma source(%dma_start3A_52 : memref<1x128xi32, #tpu.memory_space<hbm>>) target(%arg9 : memref<1x128xi32, #tpu.memory_space<vmem>>) target_semaphore(%run_scoped3A_44 : memref<!tpu.dma_semaphore, #tpu.memory_space<semaphore_mem>>)
      %dma_wait3A_53 = arith.constant 0 : i32
      %dma_wait3A_54 = arith.constant 0 : i32
      %dma_wait3A_55 = tpu.memref_slice %arg5[%add3A, %dma_wait3A_53, %dma_wait3A_54] : memref<32x1x128xi32, #tpu.memory_space<hbm>> -> memref<1x1x128xi32, #tpu.memory_space<hbm>>
      %dma_wait3A_56 = tpu.memref_squeeze %dma_wait3A_55 : memref<1x1x128xi32, #tpu.memory_space<hbm>> -> memref<1x128xi32, #tpu.memory_space<hbm>>
      %dma_wait3A_57 = arith.constant 0 : i32
      %dma_wait3A_58 = arith.constant 0 : i32
      %dma_wait3A_59 = tpu.memref_slice %arg5[%add3A, %dma_wait3A_57, %dma_wait3A_58] : memref<32x1x128xi32, #tpu.memory_space<hbm>> -> memref<1x1x128xi32, #tpu.memory_space<hbm>>
      %dma_wait3A_60 = tpu.memref_squeeze %dma_wait3A_59 : memref<1x1x128xi32, #tpu.memory_space<hbm>> -> memref<1x128xi32, #tpu.memory_space<hbm>>
      tpu.wait_dma2 semaphore(%run_scoped3A_44 : memref<!tpu.dma_semaphore, #tpu.memory_space<semaphore_mem>>) src(%dma_wait3A_60 : memref<1x128xi32, #tpu.memory_space<hbm>>) dst(%arg9 : memref<1x128xi32, #tpu.memory_space<vmem>>)
      tpu.yield
    }) : () -> ()
    %dma_start3A = arith.constant 0 : i32
    %dma_start3A_1 = arith.constant 0 : i32
    %dma_start3A_2 = arith.constant 0 : i32
    %dma_start3A_3 = arith.constant 0 : i32
    %dma_start3A_4 = tpu.memref_slice %arg10[%dma_start3A_1, %dma_start3A_2, %dma_start3A_3] : memref<2x128x128xf32, #tpu.memory_space<vmem>> -> memref<1x128x128xf32, #tpu.memory_space<vmem>>
    %dma_start3A_5 = tpu.memref_squeeze %dma_start3A_4 : memref<1x128x128xf32, #tpu.memory_space<vmem>> -> memref<128x128xf32, #tpu.memory_space<vmem>>
    %dma_start3A_6 = arith.constant 0 : i32
    %dma_start3A_7 = tpu.memref_slice %arg8[%dma_start3A, %dma_start3A_6] : memref<64x128xi32, #tpu.memory_space<vmem>> -> memref<1x128xi32, #tpu.memory_space<vmem>>
    %dma_start3A_8 = tpu.memref_squeeze %dma_start3A_7 : memref<1x128xi32, #tpu.memory_space<vmem>> -> memref<128xi32, #tpu.memory_space<vmem>>
    %dma_start3A_9 = arith.constant 0 : i32
    %dma_start3A_10 = arith.constant 0 : i32
    %dma_start3A_11 = tpu.memref_slice %arg2[%dma_start3A_9, %dma_start3A_10] : memref<400000x128xf32, #tpu.memory_space<hbm>> -> memref<400000x128xf32, #tpu.memory_space<hbm>>
    tpu.enqueue_indirect_dma source(%dma_start3A_11 : memref<400000x128xf32, #tpu.memory_space<hbm>>) target(%dma_start3A_5 : memref<128x128xf32, #tpu.memory_space<vmem>>) offsets(%dma_start3A_8 : memref<128xi32, #tpu.memory_space<vmem>>) semaphore(%arg12 : memref<!tpu.dma_semaphore, #tpu.memory_space<semaphore_mem>>)
    %scan3A = arith.constant 0 : i32
    %scan3A_12 = arith.constant 0 : i32
    %scan3A_13 = arith.constant 32 : i32
    %scan3A_14 = arith.addi %scan3A_12, %scan3A_13 : i32
    %scan3A_15 = arith.constant 1 : i32
    scf.for %scan3A_44 = %scan3A_12 to %scan3A_14 step %scan3A_15  : i32 {
      %mul3A_45 = arith.constant 2 : i32
      %mul3A_46 = arith.muli %mul3A_45, %scan3A_44 : i32
      %add3A_47 = arith.constant 1 : i32
      %add3A_48 = arith.addi %mul3A_46, %add3A_47 : i32
      %dma_start3A_49 = arith.constant 1 : i32
      %dma_start3A_50 = arith.constant 0 : i32
      %dma_start3A_51 = arith.constant 0 : i32
      %dma_start3A_52 = tpu.memref_slice %arg10[%dma_start3A_49, %dma_start3A_50, %dma_start3A_51] : memref<2x128x128xf32, #tpu.memory_space<vmem>> -> memref<1x128x128xf32, #tpu.memory_space<vmem>>
      %dma_start3A_53 = tpu.memref_squeeze %dma_start3A_52 : memref<1x128x128xf32, #tpu.memory_space<vmem>> -> memref<128x128xf32, #tpu.memory_space<vmem>>
      %dma_start3A_54 = arith.constant 0 : i32
      %dma_start3A_55 = tpu.memref_slice %arg8[%add3A_48, %dma_start3A_54] : memref<64x128xi32, #tpu.memory_space<vmem>> -> memref<1x128xi32, #tpu.memory_space<vmem>>
      %dma_start3A_56 = tpu.memref_squeeze %dma_start3A_55 : memref<1x128xi32, #tpu.memory_space<vmem>> -> memref<128xi32, #tpu.memory_space<vmem>>
      %dma_start3A_57 = arith.constant 0 : i32
      %dma_start3A_58 = arith.constant 0 : i32
      %dma_start3A_59 = tpu.memref_slice %arg2[%dma_start3A_57, %dma_start3A_58] : memref<400000x128xf32, #tpu.memory_space<hbm>> -> memref<400000x128xf32, #tpu.memory_space<hbm>>
      tpu.enqueue_indirect_dma source(%dma_start3A_59 : memref<400000x128xf32, #tpu.memory_space<hbm>>) target(%dma_start3A_53 : memref<128x128xf32, #tpu.memory_space<vmem>>) offsets(%dma_start3A_56 : memref<128xi32, #tpu.memory_space<vmem>>) semaphore(%arg13 : memref<!tpu.dma_semaphore, #tpu.memory_space<semaphore_mem>>)
      %dma_wait3A_60 = arith.constant 0 : i32
      %dma_wait3A_61 = arith.constant 0 : i32
      %dma_wait3A_62 = arith.constant 0 : i32
      %dma_wait3A_63 = tpu.memref_slice %arg10[%dma_wait3A_60, %dma_wait3A_61, %dma_wait3A_62] : memref<2x128x128xf32, #tpu.memory_space<vmem>> -> memref<1x128x128xf32, #tpu.memory_space<vmem>>
      %dma_wait3A_64 = tpu.memref_squeeze %dma_wait3A_63 : memref<1x128x128xf32, #tpu.memory_space<vmem>> -> memref<128x128xf32, #tpu.memory_space<vmem>>
      %dma_wait3A_65 = arith.constant 0 : i32
      %dma_wait3A_66 = tpu.memref_slice %arg8[%mul3A_46, %dma_wait3A_65] : memref<64x128xi32, #tpu.memory_space<vmem>> -> memref<1x128xi32, #tpu.memory_space<vmem>>
      %dma_wait3A_67 = tpu.memref_squeeze %dma_wait3A_66 : memref<1x128xi32, #tpu.memory_space<vmem>> -> memref<128xi32, #tpu.memory_space<vmem>>
      %dma_wait3A_68 = arith.constant 0 : i32
      %dma_wait3A_69 = arith.constant 0 : i32
      %dma_wait3A_70 = tpu.memref_slice %arg2[%dma_wait3A_68, %dma_wait3A_69] : memref<400000x128xf32, #tpu.memory_space<hbm>> -> memref<400000x128xf32, #tpu.memory_space<hbm>>
      tpu.wait_indirect_dma semaphore(%arg12 : memref<!tpu.dma_semaphore, #tpu.memory_space<semaphore_mem>>) src(%dma_wait3A_70 : memref<400000x128xf32, #tpu.memory_space<hbm>>) dst(%dma_wait3A_64 : memref<128x128xf32, #tpu.memory_space<vmem>>)
      %scan3A_71 = arith.constant 0 : i32
      %scan3A_72 = arith.constant 0 : i32
      %scan3A_73 = arith.constant 8 : i32
      %scan3A_74 = arith.addi %scan3A_72, %scan3A_73 : i32
      %scan3A_75 = arith.constant 1 : i32
      scf.for %scan3A_107 = %scan3A_72 to %scan3A_74 step %scan3A_75  : i32 {
        %mul3A_108 = arith.constant 16 : i32
        %mul3A_109 = arith.muli %scan3A_107, %mul3A_108 : i32
        %get3A = arith.constant 0 : i32
        %get3A_110 = arith.index_cast %get3A : i32 to index
        %get3A_111 = arith.index_cast %mul3A_109 : i32 to index
        %get3A_112 = arith.constant 0 : index
        %get3A_113 = tpu.vector_load %arg10[%get3A_110, %get3A_111, %get3A_112] {strides = array<i32>} : memref<2x128x128xf32, #tpu.memory_space<vmem>>, vector<1x1x16xf32>,
        %get3A_114 = vector.shape_cast %get3A_113 : vector<1x1x16xf32> to vector<16xf32>
        %get3A_115 = arith.constant 0 : i32
        %get3A_116 = arith.index_cast %get3A_115 : i32 to index
        %get3A_117 = arith.index_cast %mul3A_109 : i32 to index
        %get3A_118 = arith.constant 16 : index
        %get3A_119 = tpu.vector_load %arg10[%get3A_116, %get3A_117, %get3A_118] {strides = array<i32>} : memref<2x128x128xf32, #tpu.memory_space<vmem>>, vector<1x1x16xf32>,
        %get3A_120 = vector.shape_cast %get3A_119 : vector<1x1x16xf32> to vector<16xf32>
        %get3A_121 = arith.constant 0 : i32
        %get3A_122 = arith.index_cast %get3A_121 : i32 to index
        %get3A_123 = arith.index_cast %mul3A_109 : i32 to index
        %get3A_124 = arith.constant 32 : index
        %get3A_125 = tpu.vector_load %arg10[%get3A_122, %get3A_123, %get3A_124] {strides = array<i32>} : memref<2x128x128xf32, #tpu.memory_space<vmem>>, vector<1x1x16xf32>,
        %get3A_126 = vector.shape_cast %get3A_125 : vector<1x1x16xf32> to vector<16xf32>
        %get3A_127 = arith.constant 0 : i32
        %get3A_128 = arith.index_cast %get3A_127 : i32 to index
        %get3A_129 = arith.index_cast %mul3A_109 : i32 to index
        %get3A_130 = arith.constant 48 : index
        %get3A_131 = tpu.vector_load %arg10[%get3A_128, %get3A_129, %get3A_130] {strides = array<i32>} : memref<2x128x128xf32, #tpu.memory_space<vmem>>, vector<1x1x16xf32>,
        %get3A_132 = vector.shape_cast %get3A_131 : vector<1x1x16xf32> to vector<16xf32>
        %get3A_133 = arith.constant 0 : i32
        %get3A_134 = arith.index_cast %get3A_133 : i32 to index
        %get3A_135 = arith.index_cast %mul3A_109 : i32 to index
        %get3A_136 = arith.constant 64 : index
        %get3A_137 = tpu.vector_load %arg10[%get3A_134, %get3A_135, %get3A_136] {strides = array<i32>} : memref<2x128x128xf32, #tpu.memory_space<vmem>>, vector<1x1x16xf32>,
        %get3A_138 = vector.shape_cast %get3A_137 : vector<1x1x16xf32> to vector<16xf32>
        %get3A_139 = arith.constant 0 : i32
        %get3A_140 = arith.index_cast %get3A_139 : i32 to index
        %get3A_141 = arith.index_cast %mul3A_109 : i32 to index
        %get3A_142 = arith.constant 80 : index
        %get3A_143 = tpu.vector_load %arg10[%get3A_140, %get3A_141, %get3A_142] {strides = array<i32>} : memref<2x128x128xf32, #tpu.memory_space<vmem>>, vector<1x1x16xf32>,
        %get3A_144 = vector.shape_cast %get3A_143 : vector<1x1x16xf32> to vector<16xf32>
        %get3A_145 = arith.constant 0 : i32
        %get3A_146 = arith.index_cast %get3A_145 : i32 to index
        %get3A_147 = arith.index_cast %mul3A_109 : i32 to index
        %get3A_148 = arith.constant 96 : index
        %get3A_149 = tpu.vector_load %arg10[%get3A_146, %get3A_147, %get3A_148] {strides = array<i32>} : memref<2x128x128xf32, #tpu.memory_space<vmem>>, vector<1x1x16xf32>,
        %get3A_150 = vector.shape_cast %get3A_149 : vector<1x1x16xf32> to vector<16xf32>
        %get3A_151 = arith.constant 0 : i32
        %get3A_152 = arith.index_cast %get3A_151 : i32 to index
        %get3A_153 = arith.index_cast %mul3A_109 : i32 to index
        %get3A_154 = arith.constant 112 : index
        %get3A_155 = tpu.vector_load %arg10[%get3A_152, %get3A_153, %get3A_154] {strides = array<i32>} : memref<2x128x128xf32, #tpu.memory_space<vmem>>, vector<1x1x16xf32>,
        %get3A_156 = vector.shape_cast %get3A_155 : vector<1x1x16xf32> to vector<16xf32>
        %scan3A_157 = arith.constant 1 : i32
        %scan3A_158 = arith.constant 15 : i32
        %scan3A_159 = arith.addi %scan3A_157, %scan3A_158 : i32
        %scan3A_160 = arith.constant 1 : i32
        %scan3A_161:8 = scf.for %scan3A_207 = %scan3A_157 to %scan3A_159 step %scan3A_160 iter_args(%scan3A_208 = %get3A_114, %scan3A_209 = %get3A_120, %scan3A_210 = %get3A_126, %scan3A_211 = %get3A_132, %scan3A_212 = %get3A_138, %scan3A_213 = %get3A_144, %scan3A_214 = %get3A_150, %scan3A_215 = %get3A_156) -> (vector<16xf32>, vector<16xf32>, vector<16xf32>, vector<16xf32>, vector<16xf32>, vector<16xf32>, vector<16xf32>, vector<16xf32>)  : i32 {
          %add3A_216 = arith.addi %mul3A_109, %scan3A_207 : i32
          %get3A_217 = arith.constant 0 : i32
          %get3A_218 = arith.index_cast %get3A_217 : i32 to index
          %get3A_219 = arith.index_cast %add3A_216 : i32 to index
          %get3A_220 = arith.constant 0 : index
          %get3A_221 = tpu.vector_load %arg10[%get3A_218, %get3A_219, %get3A_220] {strides = array<i32>} : memref<2x128x128xf32, #tpu.memory_space<vmem>>, vector<1x1x16xf32>,
          %get3A_222 = vector.shape_cast %get3A_221 : vector<1x1x16xf32> to vector<16xf32>
          %add3A_223 = arith.addf %scan3A_208, %get3A_222 : vector<16xf32>
          %add3A_224 = arith.addi %mul3A_109, %scan3A_207 : i32
          %get3A_225 = arith.constant 0 : i32
          %get3A_226 = arith.index_cast %get3A_225 : i32 to index
          %get3A_227 = arith.index_cast %add3A_224 : i32 to index
          %get3A_228 = arith.constant 16 : index
          %get3A_229 = tpu.vector_load %arg10[%get3A_226, %get3A_227, %get3A_228] {strides = array<i32>} : memref<2x128x128xf32, #tpu.memory_space<vmem>>, vector<1x1x16xf32>,
          %get3A_230 = vector.shape_cast %get3A_229 : vector<1x1x16xf32> to vector<16xf32>
          %add3A_231 = arith.addf %scan3A_209, %get3A_230 : vector<16xf32>
          %add3A_232 = arith.addi %mul3A_109, %scan3A_207 : i32
          %get3A_233 = arith.constant 0 : i32
          %get3A_234 = arith.index_cast %get3A_233 : i32 to index
          %get3A_235 = arith.index_cast %add3A_232 : i32 to index
          %get3A_236 = arith.constant 32 : index
          %get3A_237 = tpu.vector_load %arg10[%get3A_234, %get3A_235, %get3A_236] {strides = array<i32>} : memref<2x128x128xf32, #tpu.memory_space<vmem>>, vector<1x1x16xf32>,
          %get3A_238 = vector.shape_cast %get3A_237 : vector<1x1x16xf32> to vector<16xf32>
          %add3A_239 = arith.addf %scan3A_210, %get3A_238 : vector<16xf32>
          %add3A_240 = arith.addi %mul3A_109, %scan3A_207 : i32
          %get3A_241 = arith.constant 0 : i32
          %get3A_242 = arith.index_cast %get3A_241 : i32 to index
          %get3A_243 = arith.index_cast %add3A_240 : i32 to index
          %get3A_244 = arith.constant 48 : index
          %get3A_245 = tpu.vector_load %arg10[%get3A_242, %get3A_243, %get3A_244] {strides = array<i32>} : memref<2x128x128xf32, #tpu.memory_space<vmem>>, vector<1x1x16xf32>,
          %get3A_246 = vector.shape_cast %get3A_245 : vector<1x1x16xf32> to vector<16xf32>
          %add3A_247 = arith.addf %scan3A_211, %get3A_246 : vector<16xf32>
          %add3A_248 = arith.addi %mul3A_109, %scan3A_207 : i32
          %get3A_249 = arith.constant 0 : i32
          %get3A_250 = arith.index_cast %get3A_249 : i32 to index
          %get3A_251 = arith.index_cast %add3A_248 : i32 to index
          %get3A_252 = arith.constant 64 : index
          %get3A_253 = tpu.vector_load %arg10[%get3A_250, %get3A_251, %get3A_252] {strides = array<i32>} : memref<2x128x128xf32, #tpu.memory_space<vmem>>, vector<1x1x16xf32>,
          %get3A_254 = vector.shape_cast %get3A_253 : vector<1x1x16xf32> to vector<16xf32>
          %add3A_255 = arith.addf %scan3A_212, %get3A_254 : vector<16xf32>
          %add3A_256 = arith.addi %mul3A_109, %scan3A_207 : i32
          %get3A_257 = arith.constant 0 : i32
          %get3A_258 = arith.index_cast %get3A_257 : i32 to index
          %get3A_259 = arith.index_cast %add3A_256 : i32 to index
          %get3A_260 = arith.constant 80 : index
          %get3A_261 = tpu.vector_load %arg10[%get3A_258, %get3A_259, %get3A_260] {strides = array<i32>} : memref<2x128x128xf32, #tpu.memory_space<vmem>>, vector<1x1x16xf32>,
          %get3A_262 = vector.shape_cast %get3A_261 : vector<1x1x16xf32> to vector<16xf32>
          %add3A_263 = arith.addf %scan3A_213, %get3A_262 : vector<16xf32>
          %add3A_264 = arith.addi %mul3A_109, %scan3A_207 : i32
          %get3A_265 = arith.constant 0 : i32
          %get3A_266 = arith.index_cast %get3A_265 : i32 to index
          %get3A_267 = arith.index_cast %add3A_264 : i32 to index
          %get3A_268 = arith.constant 96 : index
          %get3A_269 = tpu.vector_load %arg10[%get3A_266, %get3A_267, %get3A_268] {strides = array<i32>} : memref<2x128x128xf32, #tpu.memory_space<vmem>>, vector<1x1x16xf32>,
          %get3A_270 = vector.shape_cast %get3A_269 : vector<1x1x16xf32> to vector<16xf32>
          %add3A_271 = arith.addf %scan3A_214, %get3A_270 : vector<16xf32>
          %add3A_272 = arith.addi %mul3A_109, %scan3A_207 : i32
          %get3A_273 = arith.constant 0 : i32
          %get3A_274 = arith.index_cast %get3A_273 : i32 to index
          %get3A_275 = arith.index_cast %add3A_272 : i32 to index
          %get3A_276 = arith.constant 112 : index
          %get3A_277 = tpu.vector_load %arg10[%get3A_274, %get3A_275, %get3A_276] {strides = array<i32>} : memref<2x128x128xf32, #tpu.memory_space<vmem>>, vector<1x1x16xf32>,
          %get3A_278 = vector.shape_cast %get3A_277 : vector<1x1x16xf32> to vector<16xf32>
          %add3A_279 = arith.addf %scan3A_215, %get3A_278 : vector<16xf32>
          scf.yield %add3A_223, %add3A_231, %add3A_239, %add3A_247, %add3A_255, %add3A_263, %add3A_271, %add3A_279 : vector<16xf32>, vector<16xf32>, vector<16xf32>, vector<16xf32>, vector<16xf32>, vector<16xf32>, vector<16xf32>, vector<16xf32>
        }
        %scan3A_162 = arith.constant 15 : i32
        %rem3A_163 = arith.constant 8 : i32
        %rem3A_164 = arith.remsi %mul3A_46, %rem3A_163 : i32
        %mul3A_165 = arith.constant 8 : i32
        %mul3A_166 = arith.muli %rem3A_164, %mul3A_165 : i32
        %add3A_167 = arith.addi %mul3A_166, %scan3A_107 : i32
        %swap3A = arith.index_cast %add3A_167 : i32 to index
        %swap3A_168 = arith.constant 0 : index
        %swap3A_169 = tpu.vector_load %arg11[%swap3A, %swap3A_168] {strides = array<i32>} : memref<64x128xf32, #tpu.memory_space<vmem>>, vector<1x16xf32>,
        %swap3A_170 = vector.shape_cast %swap3A_169 : vector<1x16xf32> to vector<16xf32>
        %swap3A_171 = vector.shape_cast %scan3A_161#0 : vector<16xf32> to vector<1x16xf32>
        tpu.vector_store %arg11[%swap3A, %swap3A_168], %swap3A_171 {strides = array<i32>} : memref<64x128xf32, #tpu.memory_space<vmem>>, vector<1x16xf32>,
        %swap3A_172 = arith.index_cast %add3A_167 : i32 to index
        %swap3A_173 = arith.constant 16 : index
        %swap3A_174 = tpu.vector_load %arg11[%swap3A_172, %swap3A_173] {strides = array<i32>} : memref<64x128xf32, #tpu.memory_space<vmem>>, vector<1x16xf32>,
        %swap3A_175 = vector.shape_cast %swap3A_174 : vector<1x16xf32> to vector<16xf32>
        %swap3A_176 = vector.shape_cast %scan3A_161#1 : vector<16xf32> to vector<1x16xf32>
        tpu.vector_store %arg11[%swap3A_172, %swap3A_173], %swap3A_176 {strides = array<i32>} : memref<64x128xf32, #tpu.memory_space<vmem>>, vector<1x16xf32>,
        %swap3A_177 = arith.index_cast %add3A_167 : i32 to index
        %swap3A_178 = arith.constant 32 : index
        %swap3A_179 = tpu.vector_load %arg11[%swap3A_177, %swap3A_178] {strides = array<i32>} : memref<64x128xf32, #tpu.memory_space<vmem>>, vector<1x16xf32>,
        %swap3A_180 = vector.shape_cast %swap3A_179 : vector<1x16xf32> to vector<16xf32>
        %swap3A_181 = vector.shape_cast %scan3A_161#2 : vector<16xf32> to vector<1x16xf32>
        tpu.vector_store %arg11[%swap3A_177, %swap3A_178], %swap3A_181 {strides = array<i32>} : memref<64x128xf32, #tpu.memory_space<vmem>>, vector<1x16xf32>,
        %swap3A_182 = arith.index_cast %add3A_167 : i32 to index
        %swap3A_183 = arith.constant 48 : index
        %swap3A_184 = tpu.vector_load %arg11[%swap3A_182, %swap3A_183] {strides = array<i32>} : memref<64x128xf32, #tpu.memory_space<vmem>>, vector<1x16xf32>,
        %swap3A_185 = vector.shape_cast %swap3A_184 : vector<1x16xf32> to vector<16xf32>
        %swap3A_186 = vector.shape_cast %scan3A_161#3 : vector<16xf32> to vector<1x16xf32>
        tpu.vector_store %arg11[%swap3A_182, %swap3A_183], %swap3A_186 {strides = array<i32>} : memref<64x128xf32, #tpu.memory_space<vmem>>, vector<1x16xf32>,
        %swap3A_187 = arith.index_cast %add3A_167 : i32 to index
        %swap3A_188 = arith.constant 64 : index
        %swap3A_189 = tpu.vector_load %arg11[%swap3A_187, %swap3A_188] {strides = array<i32>} : memref<64x128xf32, #tpu.memory_space<vmem>>, vector<1x16xf32>,
        %swap3A_190 = vector.shape_cast %swap3A_189 : vector<1x16xf32> to vector<16xf32>
        %swap3A_191 = vector.shape_cast %scan3A_161#4 : vector<16xf32> to vector<1x16xf32>
        tpu.vector_store %arg11[%swap3A_187, %swap3A_188], %swap3A_191 {strides = array<i32>} : memref<64x128xf32, #tpu.memory_space<vmem>>, vector<1x16xf32>,
        %swap3A_192 = arith.index_cast %add3A_167 : i32 to index
        %swap3A_193 = arith.constant 80 : index
        %swap3A_194 = tpu.vector_load %arg11[%swap3A_192, %swap3A_193] {strides = array<i32>} : memref<64x128xf32, #tpu.memory_space<vmem>>, vector<1x16xf32>,
        %swap3A_195 = vector.shape_cast %swap3A_194 : vector<1x16xf32> to vector<16xf32>
        %swap3A_196 = vector.shape_cast %scan3A_161#5 : vector<16xf32> to vector<1x16xf32>
        tpu.vector_store %arg11[%swap3A_192, %swap3A_193], %swap3A_196 {strides = array<i32>} : memref<64x128xf32, #tpu.memory_space<vmem>>, vector<1x16xf32>,
        %swap3A_197 = arith.index_cast %add3A_167 : i32 to index
        %swap3A_198 = arith.constant 96 : index
        %swap3A_199 = tpu.vector_load %arg11[%swap3A_197, %swap3A_198] {strides = array<i32>} : memref<64x128xf32, #tpu.memory_space<vmem>>, vector<1x16xf32>,
        %swap3A_200 = vector.shape_cast %swap3A_199 : vector<1x16xf32> to vector<16xf32>
        %swap3A_201 = vector.shape_cast %scan3A_161#6 : vector<16xf32> to vector<1x16xf32>
        tpu.vector_store %arg11[%swap3A_197, %swap3A_198], %swap3A_201 {strides = array<i32>} : memref<64x128xf32, #tpu.memory_space<vmem>>, vector<1x16xf32>,
        %swap3A_202 = arith.index_cast %add3A_167 : i32 to index
        %swap3A_203 = arith.constant 112 : index
        %swap3A_204 = tpu.vector_load %arg11[%swap3A_202, %swap3A_203] {strides = array<i32>} : memref<64x128xf32, #tpu.memory_space<vmem>>, vector<1x16xf32>,
        %swap3A_205 = vector.shape_cast %swap3A_204 : vector<1x16xf32> to vector<16xf32>
        %swap3A_206 = vector.shape_cast %scan3A_161#7 : vector<16xf32> to vector<1x16xf32>
        tpu.vector_store %arg11[%swap3A_202, %swap3A_203], %swap3A_206 {strides = array<i32>} : memref<64x128xf32, #tpu.memory_space<vmem>>, vector<1x16xf32>,
      }
      %scan3A_76 = arith.constant 8 : i32
      %add3A_77 = arith.constant 1 : i32
      %add3A_78 = arith.addi %scan3A_44, %add3A_77 : i32
      %lt3A = arith.constant 32 : i32
      %lt3A_79 = arith.cmpi slt, %add3A_78, %lt3A : i32
      %convert_element_type3A = arith.extui %lt3A_79 : i1 to i32
      %cond3A = arith.constant 0 : i32
      %cond3A_80 = arith.cmpi ne, %convert_element_type3A, %cond3A : i32
      scf.if %cond3A_80 {
        %add3A_107 = arith.constant 2 : i32
        %add3A_108 = arith.addi %mul3A_46, %add3A_107 : i32
        %dma_start3A_109 = arith.constant 0 : i32
        %dma_start3A_110 = arith.constant 0 : i32
        %dma_start3A_111 = arith.constant 0 : i32
        %dma_start3A_112 = tpu.memref_slice %arg10[%dma_start3A_109, %dma_start3A_110, %dma_start3A_111] : memref<2x128x128xf32, #tpu.memory_space<vmem>> -> memref<1x128x128xf32, #tpu.memory_space<vmem>>
        %dma_start3A_113 = tpu.memref_squeeze %dma_start3A_112 : memref<1x128x128xf32, #tpu.memory_space<vmem>> -> memref<128x128xf32, #tpu.memory_space<vmem>>
        %dma_start3A_114 = arith.constant 0 : i32
        %dma_start3A_115 = tpu.memref_slice %arg8[%add3A_108, %dma_start3A_114] : memref<64x128xi32, #tpu.memory_space<vmem>> -> memref<1x128xi32, #tpu.memory_space<vmem>>
        %dma_start3A_116 = tpu.memref_squeeze %dma_start3A_115 : memref<1x128xi32, #tpu.memory_space<vmem>> -> memref<128xi32, #tpu.memory_space<vmem>>
        %dma_start3A_117 = arith.constant 0 : i32
        %dma_start3A_118 = arith.constant 0 : i32
        %dma_start3A_119 = tpu.memref_slice %arg2[%dma_start3A_117, %dma_start3A_118] : memref<400000x128xf32, #tpu.memory_space<hbm>> -> memref<400000x128xf32, #tpu.memory_space<hbm>>
        tpu.enqueue_indirect_dma source(%dma_start3A_119 : memref<400000x128xf32, #tpu.memory_space<hbm>>) target(%dma_start3A_113 : memref<128x128xf32, #tpu.memory_space<vmem>>) offsets(%dma_start3A_116 : memref<128xi32, #tpu.memory_space<vmem>>) semaphore(%arg12 : memref<!tpu.dma_semaphore, #tpu.memory_space<semaphore_mem>>)
      } else {
      }
      %add3A_81 = arith.constant 1 : i32
      %add3A_82 = arith.addi %mul3A_46, %add3A_81 : i32
      %dma_wait3A_83 = arith.constant 1 : i32
      %dma_wait3A_84 = arith.constant 0 : i32
      %dma_wait3A_85 = arith.constant 0 : i32
      %dma_wait3A_86 = tpu.memref_slice %arg10[%dma_wait3A_83, %dma_wait3A_84, %dma_wait3A_85] : memref<2x128x128xf32, #tpu.memory_space<vmem>> -> memref<1x128x128xf32, #tpu.memory_space<vmem>>
      %dma_wait3A_87 = tpu.memref_squeeze %dma_wait3A_86 : memref<1x128x128xf32, #tpu.memory_space<vmem>> -> memref<128x128xf32, #tpu.memory_space<vmem>>
      %dma_wait3A_88 = arith.constant 0 : i32
      %dma_wait3A_89 = tpu.memref_slice %arg8[%add3A_82, %dma_wait3A_88] : memref<64x128xi32, #tpu.memory_space<vmem>> -> memref<1x128xi32, #tpu.memory_space<vmem>>
      %dma_wait3A_90 = tpu.memref_squeeze %dma_wait3A_89 : memref<1x128xi32, #tpu.memory_space<vmem>> -> memref<128xi32, #tpu.memory_space<vmem>>
      %dma_wait3A_91 = arith.constant 0 : i32
      %dma_wait3A_92 = arith.constant 0 : i32
      %dma_wait3A_93 = tpu.memref_slice %arg2[%dma_wait3A_91, %dma_wait3A_92] : memref<400000x128xf32, #tpu.memory_space<hbm>> -> memref<400000x128xf32, #tpu.memory_space<hbm>>
      tpu.wait_indirect_dma semaphore(%arg13 : memref<!tpu.dma_semaphore, #tpu.memory_space<semaphore_mem>>) src(%dma_wait3A_93 : memref<400000x128xf32, #tpu.memory_space<hbm>>) dst(%dma_wait3A_87 : memref<128x128xf32, #tpu.memory_space<vmem>>)
      %add3A_94 = arith.constant 1 : i32
      %add3A_95 = arith.addi %mul3A_46, %add3A_94 : i32
      %scan3A_96 = arith.constant 0 : i32
      %scan3A_97 = arith.constant 0 : i32
      %scan3A_98 = arith.constant 8 : i32
      %scan3A_99 = arith.addi %scan3A_97, %scan3A_98 : i32
      %scan3A_100 = arith.constant 1 : i32
      scf.for %scan3A_107 = %scan3A_97 to %scan3A_99 step %scan3A_100  : i32 {
        %mul3A_108 = arith.constant 16 : i32
        %mul3A_109 = arith.muli %scan3A_107, %mul3A_108 : i32
        %get3A = arith.constant 1 : i32
        %get3A_110 = arith.index_cast %get3A : i32 to index
        %get3A_111 = arith.index_cast %mul3A_109 : i32 to index
        %get3A_112 = arith.constant 0 : index
        %get3A_113 = tpu.vector_load %arg10[%get3A_110, %get3A_111, %get3A_112] {strides = array<i32>} : memref<2x128x128xf32, #tpu.memory_space<vmem>>, vector<1x1x16xf32>,
        %get3A_114 = vector.shape_cast %get3A_113 : vector<1x1x16xf32> to vector<16xf32>
        %get3A_115 = arith.constant 1 : i32
        %get3A_116 = arith.index_cast %get3A_115 : i32 to index
        %get3A_117 = arith.index_cast %mul3A_109 : i32 to index
        %get3A_118 = arith.constant 16 : index
        %get3A_119 = tpu.vector_load %arg10[%get3A_116, %get3A_117, %get3A_118] {strides = array<i32>} : memref<2x128x128xf32, #tpu.memory_space<vmem>>, vector<1x1x16xf32>,
        %get3A_120 = vector.shape_cast %get3A_119 : vector<1x1x16xf32> to vector<16xf32>
        %get3A_121 = arith.constant 1 : i32
        %get3A_122 = arith.index_cast %get3A_121 : i32 to index
        %get3A_123 = arith.index_cast %mul3A_109 : i32 to index
        %get3A_124 = arith.constant 32 : index
        %get3A_125 = tpu.vector_load %arg10[%get3A_122, %get3A_123, %get3A_124] {strides = array<i32>} : memref<2x128x128xf32, #tpu.memory_space<vmem>>, vector<1x1x16xf32>,
        %get3A_126 = vector.shape_cast %get3A_125 : vector<1x1x16xf32> to vector<16xf32>
        %get3A_127 = arith.constant 1 : i32
        %get3A_128 = arith.index_cast %get3A_127 : i32 to index
        %get3A_129 = arith.index_cast %mul3A_109 : i32 to index
        %get3A_130 = arith.constant 48 : index
        %get3A_131 = tpu.vector_load %arg10[%get3A_128, %get3A_129, %get3A_130] {strides = array<i32>} : memref<2x128x128xf32, #tpu.memory_space<vmem>>, vector<1x1x16xf32>,
        %get3A_132 = vector.shape_cast %get3A_131 : vector<1x1x16xf32> to vector<16xf32>
        %get3A_133 = arith.constant 1 : i32
        %get3A_134 = arith.index_cast %get3A_133 : i32 to index
        %get3A_135 = arith.index_cast %mul3A_109 : i32 to index
        %get3A_136 = arith.constant 64 : index
        %get3A_137 = tpu.vector_load %arg10[%get3A_134, %get3A_135, %get3A_136] {strides = array<i32>} : memref<2x128x128xf32, #tpu.memory_space<vmem>>, vector<1x1x16xf32>,
        %get3A_138 = vector.shape_cast %get3A_137 : vector<1x1x16xf32> to vector<16xf32>
        %get3A_139 = arith.constant 1 : i32
        %get3A_140 = arith.index_cast %get3A_139 : i32 to index
        %get3A_141 = arith.index_cast %mul3A_109 : i32 to index
        %get3A_142 = arith.constant 80 : index
        %get3A_143 = tpu.vector_load %arg10[%get3A_140, %get3A_141, %get3A_142] {strides = array<i32>} : memref<2x128x128xf32, #tpu.memory_space<vmem>>, vector<1x1x16xf32>,
        %get3A_144 = vector.shape_cast %get3A_143 : vector<1x1x16xf32> to vector<16xf32>
        %get3A_145 = arith.constant 1 : i32
        %get3A_146 = arith.index_cast %get3A_145 : i32 to index
        %get3A_147 = arith.index_cast %mul3A_109 : i32 to index
        %get3A_148 = arith.constant 96 : index
        %get3A_149 = tpu.vector_load %arg10[%get3A_146, %get3A_147, %get3A_148] {strides = array<i32>} : memref<2x128x128xf32, #tpu.memory_space<vmem>>, vector<1x1x16xf32>,
        %get3A_150 = vector.shape_cast %get3A_149 : vector<1x1x16xf32> to vector<16xf32>
        %get3A_151 = arith.constant 1 : i32
        %get3A_152 = arith.index_cast %get3A_151 : i32 to index
        %get3A_153 = arith.index_cast %mul3A_109 : i32 to index
        %get3A_154 = arith.constant 112 : index
        %get3A_155 = tpu.vector_load %arg10[%get3A_152, %get3A_153, %get3A_154] {strides = array<i32>} : memref<2x128x128xf32, #tpu.memory_space<vmem>>, vector<1x1x16xf32>,
        %get3A_156 = vector.shape_cast %get3A_155 : vector<1x1x16xf32> to vector<16xf32>
        %scan3A_157 = arith.constant 1 : i32
        %scan3A_158 = arith.constant 15 : i32
        %scan3A_159 = arith.addi %scan3A_157, %scan3A_158 : i32
        %scan3A_160 = arith.constant 1 : i32
        %scan3A_161:8 = scf.for %scan3A_207 = %scan3A_157 to %scan3A_159 step %scan3A_160 iter_args(%scan3A_208 = %get3A_114, %scan3A_209 = %get3A_120, %scan3A_210 = %get3A_126, %scan3A_211 = %get3A_132, %scan3A_212 = %get3A_138, %scan3A_213 = %get3A_144, %scan3A_214 = %get3A_150, %scan3A_215 = %get3A_156) -> (vector<16xf32>, vector<16xf32>, vector<16xf32>, vector<16xf32>, vector<16xf32>, vector<16xf32>, vector<16xf32>, vector<16xf32>)  : i32 {
          %add3A_216 = arith.addi %mul3A_109, %scan3A_207 : i32
          %get3A_217 = arith.constant 1 : i32
          %get3A_218 = arith.index_cast %get3A_217 : i32 to index
          %get3A_219 = arith.index_cast %add3A_216 : i32 to index
          %get3A_220 = arith.constant 0 : index
          %get3A_221 = tpu.vector_load %arg10[%get3A_218, %get3A_219, %get3A_220] {strides = array<i32>} : memref<2x128x128xf32, #tpu.memory_space<vmem>>, vector<1x1x16xf32>,
          %get3A_222 = vector.shape_cast %get3A_221 : vector<1x1x16xf32> to vector<16xf32>
          %add3A_223 = arith.addf %scan3A_208, %get3A_222 : vector<16xf32>
          %add3A_224 = arith.addi %mul3A_109, %scan3A_207 : i32
          %get3A_225 = arith.constant 1 : i32
          %get3A_226 = arith.index_cast %get3A_225 : i32 to index
          %get3A_227 = arith.index_cast %add3A_224 : i32 to index
          %get3A_228 = arith.constant 16 : index
          %get3A_229 = tpu.vector_load %arg10[%get3A_226, %get3A_227, %get3A_228] {strides = array<i32>} : memref<2x128x128xf32, #tpu.memory_space<vmem>>, vector<1x1x16xf32>,
          %get3A_230 = vector.shape_cast %get3A_229 : vector<1x1x16xf32> to vector<16xf32>
          %add3A_231 = arith.addf %scan3A_209, %get3A_230 : vector<16xf32>
          %add3A_232 = arith.addi %mul3A_109, %scan3A_207 : i32
          %get3A_233 = arith.constant 1 : i32
          %get3A_234 = arith.index_cast %get3A_233 : i32 to index
          %get3A_235 = arith.index_cast %add3A_232 : i32 to index
          %get3A_236 = arith.constant 32 : index
          %get3A_237 = tpu.vector_load %arg10[%get3A_234, %get3A_235, %get3A_236] {strides = array<i32>} : memref<2x128x128xf32, #tpu.memory_space<vmem>>, vector<1x1x16xf32>,
          %get3A_238 = vector.shape_cast %get3A_237 : vector<1x1x16xf32> to vector<16xf32>
          %add3A_239 = arith.addf %scan3A_210, %get3A_238 : vector<16xf32>
          %add3A_240 = arith.addi %mul3A_109, %scan3A_207 : i32
          %get3A_241 = arith.constant 1 : i32
          %get3A_242 = arith.index_cast %get3A_241 : i32 to index
          %get3A_243 = arith.index_cast %add3A_240 : i32 to index
          %get3A_244 = arith.constant 48 : index
          %get3A_245 = tpu.vector_load %arg10[%get3A_242, %get3A_243, %get3A_244] {strides = array<i32>} : memref<2x128x128xf32, #tpu.memory_space<vmem>>, vector<1x1x16xf32>,
          %get3A_246 = vector.shape_cast %get3A_245 : vector<1x1x16xf32> to vector<16xf32>
          %add3A_247 = arith.addf %scan3A_211, %get3A_246 : vector<16xf32>
          %add3A_248 = arith.addi %mul3A_109, %scan3A_207 : i32
          %get3A_249 = arith.constant 1 : i32
          %get3A_250 = arith.index_cast %get3A_249 : i32 to index
          %get3A_251 = arith.index_cast %add3A_248 : i32 to index
          %get3A_252 = arith.constant 64 : index
          %get3A_253 = tpu.vector_load %arg10[%get3A_250, %get3A_251, %get3A_252] {strides = array<i32>} : memref<2x128x128xf32, #tpu.memory_space<vmem>>, vector<1x1x16xf32>,
          %get3A_254 = vector.shape_cast %get3A_253 : vector<1x1x16xf32> to vector<16xf32>
          %add3A_255 = arith.addf %scan3A_212, %get3A_254 : vector<16xf32>
          %add3A_256 = arith.addi %mul3A_109, %scan3A_207 : i32
          %get3A_257 = arith.constant 1 : i32
          %get3A_258 = arith.index_cast %get3A_257 : i32 to index
          %get3A_259 = arith.index_cast %add3A_256 : i32 to index
          %get3A_260 = arith.constant 80 : index
          %get3A_261 = tpu.vector_load %arg10[%get3A_258, %get3A_259, %get3A_260] {strides = array<i32>} : memref<2x128x128xf32, #tpu.memory_space<vmem>>, vector<1x1x16xf32>,
          %get3A_262 = vector.shape_cast %get3A_261 : vector<1x1x16xf32> to vector<16xf32>
          %add3A_263 = arith.addf %scan3A_213, %get3A_262 : vector<16xf32>
          %add3A_264 = arith.addi %mul3A_109, %scan3A_207 : i32
          %get3A_265 = arith.constant 1 : i32
          %get3A_266 = arith.index_cast %get3A_265 : i32 to index
          %get3A_267 = arith.index_cast %add3A_264 : i32 to index
          %get3A_268 = arith.constant 96 : index
          %get3A_269 = tpu.vector_load %arg10[%get3A_266, %get3A_267, %get3A_268] {strides = array<i32>} : memref<2x128x128xf32, #tpu.memory_space<vmem>>, vector<1x1x16xf32>,
          %get3A_270 = vector.shape_cast %get3A_269 : vector<1x1x16xf32> to vector<16xf32>
          %add3A_271 = arith.addf %scan3A_214, %get3A_270 : vector<16xf32>
          %add3A_272 = arith.addi %mul3A_109, %scan3A_207 : i32
          %get3A_273 = arith.constant 1 : i32
          %get3A_274 = arith.index_cast %get3A_273 : i32 to index
          %get3A_275 = arith.index_cast %add3A_272 : i32 to index
          %get3A_276 = arith.constant 112 : index
          %get3A_277 = tpu.vector_load %arg10[%get3A_274, %get3A_275, %get3A_276] {strides = array<i32>} : memref<2x128x128xf32, #tpu.memory_space<vmem>>, vector<1x1x16xf32>,
          %get3A_278 = vector.shape_cast %get3A_277 : vector<1x1x16xf32> to vector<16xf32>
          %add3A_279 = arith.addf %scan3A_215, %get3A_278 : vector<16xf32>
          scf.yield %add3A_223, %add3A_231, %add3A_239, %add3A_247, %add3A_255, %add3A_263, %add3A_271, %add3A_279 : vector<16xf32>, vector<16xf32>, vector<16xf32>, vector<16xf32>, vector<16xf32>, vector<16xf32>, vector<16xf32>, vector<16xf32>
        }
        %scan3A_162 = arith.constant 15 : i32
        %rem3A_163 = arith.constant 8 : i32
        %rem3A_164 = arith.remsi %add3A_95, %rem3A_163 : i32
        %mul3A_165 = arith.constant 8 : i32
        %mul3A_166 = arith.muli %rem3A_164, %mul3A_165 : i32
        %add3A_167 = arith.addi %mul3A_166, %scan3A_107 : i32
        %swap3A = arith.index_cast %add3A_167 : i32 to index
        %swap3A_168 = arith.constant 0 : index
        %swap3A_169 = tpu.vector_load %arg11[%swap3A, %swap3A_168] {strides = array<i32>} : memref<64x128xf32, #tpu.memory_space<vmem>>, vector<1x16xf32>,
        %swap3A_170 = vector.shape_cast %swap3A_169 : vector<1x16xf32> to vector<16xf32>
        %swap3A_171 = vector.shape_cast %scan3A_161#0 : vector<16xf32> to vector<1x16xf32>
        tpu.vector_store %arg11[%swap3A, %swap3A_168], %swap3A_171 {strides = array<i32>} : memref<64x128xf32, #tpu.memory_space<vmem>>, vector<1x16xf32>,
        %swap3A_172 = arith.index_cast %add3A_167 : i32 to index
        %swap3A_173 = arith.constant 16 : index
        %swap3A_174 = tpu.vector_load %arg11[%swap3A_172, %swap3A_173] {strides = array<i32>} : memref<64x128xf32, #tpu.memory_space<vmem>>, vector<1x16xf32>,
        %swap3A_175 = vector.shape_cast %swap3A_174 : vector<1x16xf32> to vector<16xf32>
        %swap3A_176 = vector.shape_cast %scan3A_161#1 : vector<16xf32> to vector<1x16xf32>
        tpu.vector_store %arg11[%swap3A_172, %swap3A_173], %swap3A_176 {strides = array<i32>} : memref<64x128xf32, #tpu.memory_space<vmem>>, vector<1x16xf32>,
        %swap3A_177 = arith.index_cast %add3A_167 : i32 to index
        %swap3A_178 = arith.constant 32 : index
        %swap3A_179 = tpu.vector_load %arg11[%swap3A_177, %swap3A_178] {strides = array<i32>} : memref<64x128xf32, #tpu.memory_space<vmem>>, vector<1x16xf32>,
        %swap3A_180 = vector.shape_cast %swap3A_179 : vector<1x16xf32> to vector<16xf32>
        %swap3A_181 = vector.shape_cast %scan3A_161#2 : vector<16xf32> to vector<1x16xf32>
        tpu.vector_store %arg11[%swap3A_177, %swap3A_178], %swap3A_181 {strides = array<i32>} : memref<64x128xf32, #tpu.memory_space<vmem>>, vector<1x16xf32>,
        %swap3A_182 = arith.index_cast %add3A_167 : i32 to index
        %swap3A_183 = arith.constant 48 : index
        %swap3A_184 = tpu.vector_load %arg11[%swap3A_182, %swap3A_183] {strides = array<i32>} : memref<64x128xf32, #tpu.memory_space<vmem>>, vector<1x16xf32>,
        %swap3A_185 = vector.shape_cast %swap3A_184 : vector<1x16xf32> to vector<16xf32>
        %swap3A_186 = vector.shape_cast %scan3A_161#3 : vector<16xf32> to vector<1x16xf32>
        tpu.vector_store %arg11[%swap3A_182, %swap3A_183], %swap3A_186 {strides = array<i32>} : memref<64x128xf32, #tpu.memory_space<vmem>>, vector<1x16xf32>,
        %swap3A_187 = arith.index_cast %add3A_167 : i32 to index
        %swap3A_188 = arith.constant 64 : index
        %swap3A_189 = tpu.vector_load %arg11[%swap3A_187, %swap3A_188] {strides = array<i32>} : memref<64x128xf32, #tpu.memory_space<vmem>>, vector<1x16xf32>,
        %swap3A_190 = vector.shape_cast %swap3A_189 : vector<1x16xf32> to vector<16xf32>
        %swap3A_191 = vector.shape_cast %scan3A_161#4 : vector<16xf32> to vector<1x16xf32>
        tpu.vector_store %arg11[%swap3A_187, %swap3A_188], %swap3A_191 {strides = array<i32>} : memref<64x128xf32, #tpu.memory_space<vmem>>, vector<1x16xf32>,
        %swap3A_192 = arith.index_cast %add3A_167 : i32 to index
        %swap3A_193 = arith.constant 80 : index
        %swap3A_194 = tpu.vector_load %arg11[%swap3A_192, %swap3A_193] {strides = array<i32>} : memref<64x128xf32, #tpu.memory_space<vmem>>, vector<1x16xf32>,
        %swap3A_195 = vector.shape_cast %swap3A_194 : vector<1x16xf32> to vector<16xf32>
        %swap3A_196 = vector.shape_cast %scan3A_161#5 : vector<16xf32> to vector<1x16xf32>
        tpu.vector_store %arg11[%swap3A_192, %swap3A_193], %swap3A_196 {strides = array<i32>} : memref<64x128xf32, #tpu.memory_space<vmem>>, vector<1x16xf32>,
        %swap3A_197 = arith.index_cast %add3A_167 : i32 to index
        %swap3A_198 = arith.constant 96 : index
        %swap3A_199 = tpu.vector_load %arg11[%swap3A_197, %swap3A_198] {strides = array<i32>} : memref<64x128xf32, #tpu.memory_space<vmem>>, vector<1x16xf32>,
        %swap3A_200 = vector.shape_cast %swap3A_199 : vector<1x16xf32> to vector<16xf32>
        %swap3A_201 = vector.shape_cast %scan3A_161#6 : vector<16xf32> to vector<1x16xf32>
        tpu.vector_store %arg11[%swap3A_197, %swap3A_198], %swap3A_201 {strides = array<i32>} : memref<64x128xf32, #tpu.memory_space<vmem>>, vector<1x16xf32>,
        %swap3A_202 = arith.index_cast %add3A_167 : i32 to index
        %swap3A_203 = arith.constant 112 : index
        %swap3A_204 = tpu.vector_load %arg11[%swap3A_202, %swap3A_203] {strides = array<i32>} : memref<64x128xf32, #tpu.memory_space<vmem>>, vector<1x16xf32>,
        %swap3A_205 = vector.shape_cast %swap3A_204 : vector<1x16xf32> to vector<16xf32>
        %swap3A_206 = vector.shape_cast %scan3A_161#7 : vector<16xf32> to vector<1x16xf32>
        tpu.vector_store %arg11[%swap3A_202, %swap3A_203], %swap3A_206 {strides = array<i32>} : memref<64x128xf32, #tpu.memory_space<vmem>>, vector<1x16xf32>,
      }
      %scan3A_101 = arith.constant 8 : i32
      %rem3A = arith.constant 4 : i32
      %rem3A_102 = arith.remsi %scan3A_44, %rem3A : i32
      %eq3A = arith.constant 3 : i32
      %eq3A_103 = arith.cmpi eq, %rem3A_102, %eq3A : i32
      %convert_element_type3A_104 = arith.extui %eq3A_103 : i1 to i32
      %cond3A_105 = arith.constant 0 : i32
      %cond3A_106 = arith.cmpi ne, %convert_element_type3A_104, %cond3A_105 : i32
      scf.if %cond3A_106 {
        %mul3A_107 = arith.constant 512 : i32
        %mul3A_108 = arith.muli %add3A, %mul3A_107 : i32
        %add3A_109 = arith.constant 1 : i32
        %add3A_110 = arith.addi %mul3A_46, %add3A_109 : i32
        %sub3A = arith.constant 7 : i32
        %sub3A_111 = arith.subi %add3A_110, %sub3A : i32
        %mul3A_112 = arith.constant 8 : i32
        %mul3A_113 = arith.muli %sub3A_111, %mul3A_112 : i32
        %add3A_114 = arith.addi %mul3A_108, %mul3A_113 : i32
        "tpu.region"() ({
          %run_scoped3A_115 = tpu.sem_alloc : memref<!tpu.dma_semaphore, #tpu.memory_space<semaphore_mem>>
          %dma_start3A_116 = arith.constant 0 : i32
          %dma_start3A_117 = tpu.memref_slice %arg6[%add3A_114, %dma_start3A_116] : memref<16384x128xf32, #tpu.memory_space<hbm>> -> memref<64x128xf32, #tpu.memory_space<hbm>>
          %dma_start3A_118 = arith.constant 0 : i32
          %dma_start3A_119 = tpu.memref_slice %arg6[%add3A_114, %dma_start3A_118] : memref<16384x128xf32, #tpu.memory_space<hbm>> -> memref<64x128xf32, #tpu.memory_space<hbm>>
          tpu.enqueue_dma source(%arg11 : memref<64x128xf32, #tpu.memory_space<vmem>>) target(%dma_start3A_119 : memref<64x128xf32, #tpu.memory_space<hbm>>) target_semaphore(%run_scoped3A_115 : memref<!tpu.dma_semaphore, #tpu.memory_space<semaphore_mem>>)
          %dma_wait3A_120 = arith.constant 0 : i32
          %dma_wait3A_121 = tpu.memref_slice %arg6[%add3A_114, %dma_wait3A_120] : memref<16384x128xf32, #tpu.memory_space<hbm>> -> memref<64x128xf32, #tpu.memory_space<hbm>>
          %dma_wait3A_122 = arith.constant 0 : i32
          %dma_wait3A_123 = tpu.memref_slice %arg6[%add3A_114, %dma_wait3A_122] : memref<16384x128xf32, #tpu.memory_space<hbm>> -> memref<64x128xf32, #tpu.memory_space<hbm>>
          tpu.wait_dma2 semaphore(%run_scoped3A_115 : memref<!tpu.dma_semaphore, #tpu.memory_space<semaphore_mem>>) src(%arg11 : memref<64x128xf32, #tpu.memory_space<vmem>>) dst(%dma_wait3A_123 : memref<64x128xf32, #tpu.memory_space<hbm>>)
          tpu.yield
        }) : () -> ()
      } else {
      }
    }
    %scan3A_16 = arith.constant 32 : i32
    %dma_start3A_17 = arith.constant 0 : i32
    %dma_start3A_18 = arith.constant 0 : i32
    %dma_start3A_19 = arith.constant 0 : i32
    %dma_start3A_20 = arith.constant 0 : i32
    %dma_start3A_21 = tpu.memref_slice %arg10[%dma_start3A_18, %dma_start3A_19, %dma_start3A_20] : memref<2x128x128xf32, #tpu.memory_space<vmem>> -> memref<1x128x128xf32, #tpu.memory_space<vmem>>
    %dma_start3A_22 = tpu.memref_squeeze %dma_start3A_21 : memref<1x128x128xf32, #tpu.memory_space<vmem>> -> memref<128x128xf32, #tpu.memory_space<vmem>>
    %dma_start3A_23 = arith.constant 0 : i32
    %dma_start3A_24 = tpu.memref_slice %arg9[%dma_start3A_17, %dma_start3A_23] : memref<1x128xi32, #tpu.memory_space<vmem>> -> memref<1x128xi32, #tpu.memory_space<vmem>>
    %dma_start3A_25 = tpu.memref_squeeze %dma_start3A_24 : memref<1x128xi32, #tpu.memory_space<vmem>> -> memref<128xi32, #tpu.memory_space<vmem>>
    %dma_start3A_26 = arith.constant 0 : i32
    %dma_start3A_27 = arith.constant 0 : i32
    %dma_start3A_28 = tpu.memref_slice %arg4[%dma_start3A_26, %dma_start3A_27] : memref<100000x128xf32, #tpu.memory_space<hbm>> -> memref<100000x128xf32, #tpu.memory_space<hbm>>
    tpu.enqueue_indirect_dma source(%dma_start3A_28 : memref<100000x128xf32, #tpu.memory_space<hbm>>) target(%dma_start3A_22 : memref<128x128xf32, #tpu.memory_space<vmem>>) offsets(%dma_start3A_25 : memref<128xi32, #tpu.memory_space<vmem>>) semaphore(%arg12 : memref<!tpu.dma_semaphore, #tpu.memory_space<semaphore_mem>>)
    %dma_wait3A = arith.constant 0 : i32
    %dma_wait3A_29 = arith.constant 0 : i32
    %dma_wait3A_30 = arith.constant 0 : i32
    %dma_wait3A_31 = arith.constant 0 : i32
    %dma_wait3A_32 = tpu.memref_slice %arg10[%dma_wait3A_29, %dma_wait3A_30, %dma_wait3A_31] : memref<2x128x128xf32, #tpu.memory_space<vmem>> -> memref<1x128x128xf32, #tpu.memory_space<vmem>>
    %dma_wait3A_33 = tpu.memref_squeeze %dma_wait3A_32 : memref<1x128x128xf32, #tpu.memory_space<vmem>> -> memref<128x128xf32, #tpu.memory_space<vmem>>
    %dma_wait3A_34 = arith.constant 0 : i32
    %dma_wait3A_35 = tpu.memref_slice %arg9[%dma_wait3A, %dma_wait3A_34] : memref<1x128xi32, #tpu.memory_space<vmem>> -> memref<1x128xi32, #tpu.memory_space<vmem>>
    %dma_wait3A_36 = tpu.memref_squeeze %dma_wait3A_35 : memref<1x128xi32, #tpu.memory_space<vmem>> -> memref<128xi32, #tpu.memory_space<vmem>>
    %dma_wait3A_37 = arith.constant 0 : i32
    %dma_wait3A_38 = arith.constant 0 : i32
    %dma_wait3A_39 = tpu.memref_slice %arg4[%dma_wait3A_37, %dma_wait3A_38] : memref<100000x128xf32, #tpu.memory_space<hbm>> -> memref<100000x128xf32, #tpu.memory_space<hbm>>
    tpu.wait_indirect_dma semaphore(%arg12 : memref<!tpu.dma_semaphore, #tpu.memory_space<semaphore_mem>>) src(%dma_wait3A_39 : memref<100000x128xf32, #tpu.memory_space<hbm>>) dst(%dma_wait3A_33 : memref<128x128xf32, #tpu.memory_space<vmem>>)
    %mul3A_40 = arith.constant 128 : i32
    %mul3A_41 = arith.muli %add3A, %mul3A_40 : i32
    %add3A_42 = arith.constant 0 : i32
    %add3A_43 = arith.addi %mul3A_41, %add3A_42 : i32
    %run_scoped3A = arith.constant 0 : i32
    "tpu.region"() ({
      %run_scoped3A_44 = tpu.sem_alloc : memref<!tpu.dma_semaphore, #tpu.memory_space<semaphore_mem>>
      %dma_start3A_45 = arith.constant 0 : i32
      %dma_start3A_46 = arith.constant 0 : i32
      %dma_start3A_47 = tpu.memref_slice %arg10[%run_scoped3A, %dma_start3A_45, %dma_start3A_46] : memref<2x128x128xf32, #tpu.memory_space<vmem>> -> memref<1x128x128xf32, #tpu.memory_space<vmem>>
      %dma_start3A_48 = tpu.memref_squeeze %dma_start3A_47 : memref<1x128x128xf32, #tpu.memory_space<vmem>> -> memref<128x128xf32, #tpu.memory_space<vmem>>
      %dma_start3A_49 = arith.constant 0 : i32
      %dma_start3A_50 = tpu.memref_slice %arg7[%add3A_43, %dma_start3A_49] : memref<4096x128xf32, #tpu.memory_space<hbm>> -> memref<128x128xf32, #tpu.memory_space<hbm>>
      %dma_start3A_51 = arith.constant 0 : i32
      %dma_start3A_52 = tpu.memref_slice %arg7[%add3A_43, %dma_start3A_51] : memref<4096x128xf32, #tpu.memory_space<hbm>> -> memref<128x128xf32, #tpu.memory_space<hbm>>
      %dma_start3A_53 = arith.constant 0 : i32
      %dma_start3A_54 = arith.constant 0 : i32
      %dma_start3A_55 = tpu.memref_slice %arg10[%run_scoped3A, %dma_start3A_53, %dma_start3A_54] : memref<2x128x128xf32, #tpu.memory_space<vmem>> -> memref<1x128x128xf32, #tpu.memory_space<vmem>>
      %dma_start3A_56 = tpu.memref_squeeze %dma_start3A_55 : memref<1x128x128xf32, #tpu.memory_space<vmem>> -> memref<128x128xf32, #tpu.memory_space<vmem>>
      tpu.enqueue_dma source(%dma_start3A_56 : memref<128x128xf32, #tpu.memory_space<vmem>>) target(%dma_start3A_52 : memref<128x128xf32, #tpu.memory_space<hbm>>) target_semaphore(%run_scoped3A_44 : memref<!tpu.dma_semaphore, #tpu.memory_space<semaphore_mem>>)
      %dma_wait3A_57 = arith.constant 0 : i32
      %dma_wait3A_58 = arith.constant 0 : i32
      %dma_wait3A_59 = tpu.memref_slice %arg10[%run_scoped3A, %dma_wait3A_57, %dma_wait3A_58] : memref<2x128x128xf32, #tpu.memory_space<vmem>> -> memref<1x128x128xf32, #tpu.memory_space<vmem>>
      %dma_wait3A_60 = tpu.memref_squeeze %dma_wait3A_59 : memref<1x128x128xf32, #tpu.memory_space<vmem>> -> memref<128x128xf32, #tpu.memory_space<vmem>>
      %dma_wait3A_61 = arith.constant 0 : i32
      %dma_wait3A_62 = tpu.memref_slice %arg7[%add3A_43, %dma_wait3A_61] : memref<4096x128xf32, #tpu.memory_space<hbm>> -> memref<128x128xf32, #tpu.memory_space<hbm>>
      %dma_wait3A_63 = arith.constant 0 : i32
      %dma_wait3A_64 = tpu.memref_slice %arg7[%add3A_43, %dma_wait3A_63] : memref<4096x128xf32, #tpu.memory_space<hbm>> -> memref<128x128xf32, #tpu.memory_space<hbm>>
      %dma_wait3A_65 = arith.constant 0 : i32
      %dma_wait3A_66 = arith.constant 0 : i32
      %dma_wait3A_67 = tpu.memref_slice %arg10[%run_scoped3A, %dma_wait3A_65, %dma_wait3A_66] : memref<2x128x128xf32, #tpu.memory_space<vmem>> -> memref<1x128x128xf32, #tpu.memory_space<vmem>>
      %dma_wait3A_68 = tpu.memref_squeeze %dma_wait3A_67 : memref<1x128x128xf32, #tpu.memory_space<vmem>> -> memref<128x128xf32, #tpu.memory_space<vmem>>
      tpu.wait_dma2 semaphore(%run_scoped3A_44 : memref<!tpu.dma_semaphore, #tpu.memory_space<semaphore_mem>>) src(%dma_wait3A_68 : memref<128x128xf32, #tpu.memory_space<vmem>>) dst(%dma_wait3A_64 : memref<128x128xf32, #tpu.memory_space<hbm>>)
      tpu.yield
    }) : () -> ()
    return
  }
}

module attributes {stable_mosaic.version = 14 : i64} {
  func.func @_tc_body(%arg0: i32, %arg1: memref<512x4x128xf32, #tpu.memory_space<vmem>>, %arg2: memref<512x128xf32, #tpu.memory_space<vmem>>, %arg3: memref<512x4xf32, #tpu.memory_space<vmem>>, %arg4: memref<128x128xf32, #tpu.memory_space<vmem>>, %arg5: memref<512x128xf32, #tpu.memory_space<vmem>>, %arg6: memref<4x128x128xf32, #tpu.memory_space<vmem>>, %arg7: memref<512x128xf32, #tpu.memory_space<vmem>>) attributes {dimension_semantics = [#tpu.dimension_semantics<arbitrary>], iteration_bounds = array<i64: 8>, scalar_prefetch = 0 : i64, scratch_operands = 0 : i64, tpu.core_type = #tpu.core_type<tc>, window_params = [{transform_indices = @transform_0, window_bounds = array<i64: 512, 4, 128>}, {transform_indices = @transform_1, window_bounds = array<i64: 512, 128>}, {transform_indices = @transform_2, window_bounds = array<i64: 512, 4>}, {pipeline_mode = #tpu.pipeline_mode<synchronous>, transform_indices = @transform_3, window_bounds = array<i64: 128, 128>}, {transform_indices = @transform_4, window_bounds = array<i64: 512, 128>}, {pipeline_mode = #tpu.pipeline_mode<synchronous>, transform_indices = @transform_5, window_bounds = array<i64: 4, 128, 128>}, {transform_indices = @transform_6, window_bounds = array<i64: 512, 128>}]} {
    %get3A = arith.constant 0 : index
    %get3A_0 = arith.constant 0 : index
    %get3A_1 = arith.constant 0 : index
    %get3A_2 = vector.load %arg1[%get3A, %get3A_0, %get3A_1] : memref<512x4x128xf32, #tpu.memory_space<vmem>>, vector<512x4x128xf32>
    %reshape3A = vector.shape_cast %get3A_2 : vector<512x4x128xf32> to vector<2048x128xf32>
    %get3A_3 = arith.constant 0 : index
    %get3A_4 = arith.constant 0 : index
    %get3A_5 = vector.load %arg3[%get3A_3, %get3A_4] : memref<512x4xf32, #tpu.memory_space<vmem>>, vector<512x4xf32>
    %get3A_6 = arith.constant 0 : index
    %get3A_7 = arith.constant 0 : index
    %get3A_8 = vector.load %arg4[%get3A_6, %get3A_7] : memref<128x128xf32, #tpu.memory_space<vmem>>, vector<128x128xf32>
    %dot_general3A = arith.constant dense<0.000000e+00> : vector<2048x128xf32>
    %dot_general3A_9 = tpu.matmul %reshape3A, %get3A_8, %dot_general3A {dimension_numbers = #tpu.dot_dimension_numbers<[1], [0], [0], [1], [0, 0, 1, 1], [], []>, transpose_lhs_hint = false} : vector<2048x128xf32>, vector<128x128xf32>, vector<2048x128xf32> -> vector<2048x128xf32>
    %tanh3A = math.tanh %dot_general3A_9 : vector<2048x128xf32>
    %reshape3A_10 = vector.shape_cast %tanh3A : vector<2048x128xf32> to vector<512x4x128xf32>
    %get3A_11 = arith.constant 0 : index
    %get3A_12 = arith.constant 0 : index
    %get3A_13 = vector.load %arg5[%get3A_11, %get3A_12] : memref<512x128xf32, #tpu.memory_space<vmem>>, vector<512x128xf32>
    %broadcast_in_dim3A = vector.shape_cast %get3A_13 : vector<512x128xf32> to vector<512x1x128xf32>
    %mul3A = vector.broadcast %broadcast_in_dim3A : vector<512x1x128xf32> to vector<512x4x128xf32>
    %mul3A_14 = arith.mulf %reshape3A_10, %mul3A : vector<512x4x128xf32>
    %broadcast_in_dim3A_15 = arith.constant 1.000000e+00 : f32
    %broadcast_in_dim3A_16 = vector.broadcast %broadcast_in_dim3A_15 : f32 to vector<128x128xf32>
    %reshape3A_17 = vector.shape_cast %mul3A_14 : vector<512x4x128xf32> to vector<2048x128xf32>
    %dot_general3A_18 = arith.constant dense<0.000000e+00> : vector<2048x128xf32>
    %dot_general3A_19 = tpu.matmul %reshape3A_17, %broadcast_in_dim3A_16, %dot_general3A_18 {dimension_numbers = #tpu.dot_dimension_numbers<[1], [0], [0], [1], [0, 0, 1, 1], [], []>, transpose_lhs_hint = false} : vector<2048x128xf32>, vector<128x128xf32>, vector<2048x128xf32> -> vector<2048x128xf32>
    %exp3A = math.exp %dot_general3A_19 : vector<2048x128xf32>
    %reshape3A_20 = vector.shape_cast %exp3A : vector<2048x128xf32> to vector<512x4x128xf32>
    %mul3A_21 = arith.mulf %reshape3A_20, %get3A_2 : vector<512x4x128xf32>
    %reduce_sum3A = arith.constant dense<0.000000e+00> : vector<512x128xf32>
    %reduce_sum3A_22 = vector.multi_reduction <add>, %mul3A_21, %reduce_sum3A [1] : vector<512x4x128xf32> to vector<512x128xf32>
    %reduce_sum3A_23 = arith.constant dense<0.000000e+00> : vector<512x128xf32>
    %reduce_sum3A_24 = vector.multi_reduction <add>, %reshape3A_20, %reduce_sum3A_23 [1] : vector<512x4x128xf32> to vector<512x128xf32>
    %div3A = arith.divf %reduce_sum3A_22, %reduce_sum3A_24 : vector<512x128xf32>
    %broadcast_in_dim3A_25 = arith.constant 0.000000e+00 : f32
    %broadcast_in_dim3A_26 = vector.broadcast %broadcast_in_dim3A_25 : f32 to vector<512x128xf32>
    %slice3A = vector.extract_strided_slice %get3A_5 {offsets = [0, 0], sizes = [512, 1], strides = [1, 1]} : vector<512x4xf32> to vector<512x1xf32>
    %get3A_27 = arith.constant 0 : index
    %get3A_28 = arith.constant 0 : index
    %get3A_29 = arith.constant 0 : index
    %get3A_30 = vector.load %arg6[%get3A_27, %get3A_28, %get3A_29] : memref<4x128x128xf32, #tpu.memory_space<vmem>>, vector<1x128x128xf32>
    %get3A_31 = vector.shape_cast %get3A_30 : vector<1x128x128xf32> to vector<128x128xf32>
    %dot_general3A_32 = arith.constant dense<0.000000e+00> : vector<512x128xf32>
    %dot_general3A_33 = tpu.matmul %div3A, %get3A_31, %dot_general3A_32 {dimension_numbers = #tpu.dot_dimension_numbers<[1], [0], [0], [1], [0, 0, 1, 1], [], []>, transpose_lhs_hint = false} : vector<512x128xf32>, vector<128x128xf32>, vector<512x128xf32> -> vector<512x128xf32>
    %mul3A_34 = vector.broadcast %slice3A : vector<512x1xf32> to vector<512x128xf32>
    %mul3A_35 = arith.mulf %mul3A_34, %dot_general3A_33 : vector<512x128xf32>
    %add3A = arith.addf %broadcast_in_dim3A_26, %mul3A_35 : vector<512x128xf32>
    %slice3A_36 = vector.extract_strided_slice %get3A_5 {offsets = [0, 1], sizes = [512, 1], strides = [1, 1]} : vector<512x4xf32> to vector<512x1xf32>
    %get3A_37 = arith.constant 1 : index
    %get3A_38 = arith.constant 0 : index
    %get3A_39 = arith.constant 0 : index
    %get3A_40 = vector.load %arg6[%get3A_37, %get3A_38, %get3A_39] : memref<4x128x128xf32, #tpu.memory_space<vmem>>, vector<1x128x128xf32>
    %get3A_41 = vector.shape_cast %get3A_40 : vector<1x128x128xf32> to vector<128x128xf32>
    %dot_general3A_42 = arith.constant dense<0.000000e+00> : vector<512x128xf32>
    %dot_general3A_43 = tpu.matmul %div3A, %get3A_41, %dot_general3A_42 {dimension_numbers = #tpu.dot_dimension_numbers<[1], [0], [0], [1], [0, 0, 1, 1], [], []>, transpose_lhs_hint = false} : vector<512x128xf32>, vector<128x128xf32>, vector<512x128xf32> -> vector<512x128xf32>
    %mul3A_44 = vector.broadcast %slice3A_36 : vector<512x1xf32> to vector<512x128xf32>
    %mul3A_45 = arith.mulf %mul3A_44, %dot_general3A_43 : vector<512x128xf32>
    %add3A_46 = arith.addf %add3A, %mul3A_45 : vector<512x128xf32>
    %slice3A_47 = vector.extract_strided_slice %get3A_5 {offsets = [0, 2], sizes = [512, 1], strides = [1, 1]} : vector<512x4xf32> to vector<512x1xf32>
    %get3A_48 = arith.constant 2 : index
    %get3A_49 = arith.constant 0 : index
    %get3A_50 = arith.constant 0 : index
    %get3A_51 = vector.load %arg6[%get3A_48, %get3A_49, %get3A_50] : memref<4x128x128xf32, #tpu.memory_space<vmem>>, vector<1x128x128xf32>
    %get3A_52 = vector.shape_cast %get3A_51 : vector<1x128x128xf32> to vector<128x128xf32>
    %dot_general3A_53 = arith.constant dense<0.000000e+00> : vector<512x128xf32>
    %dot_general3A_54 = tpu.matmul %div3A, %get3A_52, %dot_general3A_53 {dimension_numbers = #tpu.dot_dimension_numbers<[1], [0], [0], [1], [0, 0, 1, 1], [], []>, transpose_lhs_hint = false} : vector<512x128xf32>, vector<128x128xf32>, vector<512x128xf32> -> vector<512x128xf32>
    %mul3A_55 = vector.broadcast %slice3A_47 : vector<512x1xf32> to vector<512x128xf32>
    %mul3A_56 = arith.mulf %mul3A_55, %dot_general3A_54 : vector<512x128xf32>
    %add3A_57 = arith.addf %add3A_46, %mul3A_56 : vector<512x128xf32>
    %slice3A_58 = vector.extract_strided_slice %get3A_5 {offsets = [0, 3], sizes = [512, 1], strides = [1, 1]} : vector<512x4xf32> to vector<512x1xf32>
    %get3A_59 = arith.constant 3 : index
    %get3A_60 = arith.constant 0 : index
    %get3A_61 = arith.constant 0 : index
    %get3A_62 = vector.load %arg6[%get3A_59, %get3A_60, %get3A_61] : memref<4x128x128xf32, #tpu.memory_space<vmem>>, vector<1x128x128xf32>
    %get3A_63 = vector.shape_cast %get3A_62 : vector<1x128x128xf32> to vector<128x128xf32>
    %dot_general3A_64 = arith.constant dense<0.000000e+00> : vector<512x128xf32>
    %dot_general3A_65 = tpu.matmul %div3A, %get3A_63, %dot_general3A_64 {dimension_numbers = #tpu.dot_dimension_numbers<[1], [0], [0], [1], [0, 0, 1, 1], [], []>, transpose_lhs_hint = false} : vector<512x128xf32>, vector<128x128xf32>, vector<512x128xf32> -> vector<512x128xf32>
    %mul3A_66 = vector.broadcast %slice3A_58 : vector<512x1xf32> to vector<512x128xf32>
    %mul3A_67 = arith.mulf %mul3A_66, %dot_general3A_65 : vector<512x128xf32>
    %add3A_68 = arith.addf %add3A_57, %mul3A_67 : vector<512x128xf32>
    %get3A_69 = arith.constant 0 : index
    %get3A_70 = arith.constant 0 : index
    %get3A_71 = vector.load %arg2[%get3A_69, %get3A_70] : memref<512x128xf32, #tpu.memory_space<vmem>>, vector<512x128xf32>
    %add3A_72 = arith.addf %get3A_71, %add3A_68 : vector<512x128xf32>
    %mul3A_73 = arith.mulf %add3A_72, %add3A_72 : vector<512x128xf32>
    %dot_general3A_74 = arith.constant dense<0.000000e+00> : vector<512x128xf32>
    %dot_general3A_75 = tpu.matmul %mul3A_73, %broadcast_in_dim3A_16, %dot_general3A_74 {dimension_numbers = #tpu.dot_dimension_numbers<[1], [0], [0], [1], [0, 0, 1, 1], [], []>, transpose_lhs_hint = false} : vector<512x128xf32>, vector<128x128xf32>, vector<512x128xf32> -> vector<512x128xf32>
    %sqrt3A = math.sqrt %dot_general3A_75 : vector<512x128xf32>
    %max3A = arith.constant 9.99999996E-13 : f32
    %max3A_76 = vector.broadcast %max3A : f32 to vector<512x128xf32>
    %max3A_77 = arith.maximumf %sqrt3A, %max3A_76 : vector<512x128xf32>
    %div3A_78 = arith.divf %add3A_72, %max3A_77 : vector<512x128xf32>
    %swap3A = arith.constant 0 : index
    %swap3A_79 = arith.constant 0 : index
    %swap3A_80 = vector.load %arg7[%swap3A, %swap3A_79] : memref<512x128xf32, #tpu.memory_space<vmem>>, vector<512x128xf32>
    tpu.vector_store %arg7[%swap3A, %swap3A_79], %div3A_78 {strides = array<i32>} : memref<512x128xf32, #tpu.memory_space<vmem>>, vector<512x128xf32>,
    return
  }
  func.func @transform_0(%arg0: i32) -> (i32, i32, i32) {
    %c0_i32 = arith.constant 0 : i32
    %c0_i32_0 = arith.constant 0 : i32
    %c0_i32_1 = arith.constant 0 : i32
    return %arg0, %c0_i32, %c0_i32_0 : i32, i32, i32
  }
  func.func @transform_1(%arg0: i32) -> (i32, i32) {
    %c0_i32 = arith.constant 0 : i32
    %c0_i32_0 = arith.constant 0 : i32
    return %arg0, %c0_i32 : i32, i32
  }
  func.func @transform_2(%arg0: i32) -> (i32, i32) {
    %c0_i32 = arith.constant 0 : i32
    %c0_i32_0 = arith.constant 0 : i32
    return %arg0, %c0_i32 : i32, i32
  }
  func.func @transform_3(%arg0: i32) -> (i32, i32) {
    %c0_i32 = arith.constant 0 : i32
    %c0_i32_0 = arith.constant 0 : i32
    %c0_i32_1 = arith.constant 0 : i32
    return %c0_i32, %c0_i32_0 : i32, i32
  }
  func.func @transform_4(%arg0: i32) -> (i32, i32) {
    %c0_i32 = arith.constant 0 : i32
    %c0_i32_0 = arith.constant 0 : i32
    return %arg0, %c0_i32 : i32, i32
  }
  func.func @transform_5(%arg0: i32) -> (i32, i32, i32) {
    %c0_i32 = arith.constant 0 : i32
    %c0_i32_0 = arith.constant 0 : i32
    %c0_i32_1 = arith.constant 0 : i32
    %c0_i32_2 = arith.constant 0 : i32
    return %c0_i32, %c0_i32_0, %c0_i32_1 : i32, i32, i32
  }
  func.func @transform_6(%arg0: i32) -> (i32, i32) {
    %c0_i32 = arith.constant 0 : i32
    %c0_i32_0 = arith.constant 0 : i32
    return %arg0, %c0_i32 : i32, i32
  }
}

</mosaic_0001>

<sc_bundles>
// kernel: kernel.6.cloned.1.call-start
scs
__scs_entry_jumppad:
0x0: {  	(pc) =	sbr.rel $0x88, $3  }
0x1: {  	(tag) =	ssettag $0x0;
	lr =	simm.s32 $0x1  }
0x2: {  	[smem:$0x3F99] =	sst lr;
	_ =	strace $0xD0000000  }
0x3: {  	_ = 	snop  }
0x4: {  	_ = 	snop  }
0x5: {  	_ = 	snop  }
0x6: {  	_ = 	snop  }
0x7: {  	_ = 	snop  }
__scs_overlays_trampoline_lowered:
0x8: {  	[smem:$0x3FA8] =	sst s0  }
0x9: {  	[smem:$0x3FA9] =	sst s1  }
0xa: {  	[smem:$0x3FAA] =	sst s2  }
0xb: {  	[smem:$0x3FAB] =	sst s3  }
0xc: {  	[smem:$0x3FAC] =	sst s4  }
0xd: {  	[smem:$0x3FAD] =	sst s5  }
0xe: {  	[smem:$0x3FAE] =	sst s6  }
0xf: {  	[smem:$0x3FAF] =	sst s7  }
0x10: {  	[smem:$0x3FB0] =	sst s8  }
0x11: {  	[smem:$0x3FB1] =	sst s9;
	s0 =	simm.s32 @!p0 $0x0  }
0x12: {  	s1 =	sld [smem:$0x3F97];
	s0 =	simm.s32 @p0 $0x1  }
0x13: {  	[smem:$0x3FB2] =	sst s0;
	s0 =	simm.s32 @!p1 $0x0  }
0x14: {  	s2 =	sld [smem:$0x3F96];
	s0 =	simm.s32 @p1 $0x1  }
0x15: {  	[smem:$0x3FB3] =	sst s0;
	s0 =	simm.s32 @!p2 $0x0  }
0x16: {  	s3 =	sld [smem:$0x3FDB];
	s0 =	simm.s32 @p2 $0x1  }
0x17: {  	s4 =	simm.s32 $0x1BF5;
	[smem:$0x3FB5] =	sst s0  }
0x18: {  	s0 =	sld [smem:$0x3F98];
	_ =	swait.ge [sflag:s4], $0x0  }
0x19: {  	s7 =	sld [smem:$0x3F99]  }
0x1a: {  	s8 =	sadd.s32 $0xFFFFE003, lr  }
0x1b: {  	s9 =	sadd.s32 $0xFFFFFEF7, lr;
	s5 =	simm.s32 $0xFFFFFFFF;
	p2 =	slt.u32 s8, $0xFFFFF086  }
0x1c: {  	p1 =	slt.u32 s9, $0xF7A;
	s5 =	simm.s32 @!p2 $0x0  }
0x1d: {  	s5 =	simm.s32 @p1 $0x1;
	p0 =	seq.s32 s7, s2  }
0x1e: {  	s7 =	smul.u32 @!p0 $0xF7A, s2;
	p2 =	seq.s32 @!p0 s5, $0x0  }
0x1f: {  	s9 =	smul.u32 $0xF7A, s1;
	s8 =	simm.s32 @!p0 $0x1BF5;
	p2 =	por !p2, p0  }
0x20: {  	[sflag:s8] =	ssyncset.s32 @!p0 $0xFFFFF086;
	s6 =	sadd.s32 @!p0 s3, s7;
	s7 =	simm.s32 @!p0 $0x108  }
0x21: {  	s3 =	sadd.s32 s3, s9;
	s6 =	sadd.s32 @!p0 $0x88, s6;
	s7 =	simm.s32 @p2 $0x1082  }
0x22: {  	[simem:s7], [sflag:s8] =	dma.local @!p0 [hbm:s6], $0xF7A  }
0x23: {  	s9 =	sor.u32 $0xD0000000, s2;
	s6 =	simm.s32 $0x108;
	_ =	swait.ge @!p0 [sflag:s8], $0x0  }
0x24: {  	s3 =	sadd.s32 $0x88, s3;
	s6 =	simm.s32 @!p1 $0x1082;
	[sflag:s4] =	ssyncset.s32 $0xFFFFF086  }
0x25: {  	[simem:s6], [sflag:s4] =	dma.local [hbm:s3], $0xF7A  }
0x26: {  	[smem:$0x3F99] =	sst s1;
	(tag) =	ssettag s2;
	_ =	strace s9  }
0x27: {  	s1 =	sld [smem:$0x3FA9]  }
0x28: {  	s2 =	sld [smem:$0x3FAA]  }
0x29: {  	s4 =	sld [smem:$0x3FAC]  }
0x2a: {  	p0 =	seq.s32 s5, $0x0;
	s5 =	sld [smem:$0x3FAD]  }
0x2b: {  	s6 =	sld [smem:$0x3FAE]  }
0x2c: {  	s7 =	sld [smem:$0x3FAF]  }
0x2d: {  	s3 =	simm.s32 $0x108;
	s8 =	sld [smem:$0x3FB0]  }
0x2e: {  	s3 =	simm.s32 @!p0 $0x1082;
	s9 =	sld [smem:$0x3FB1]  }
0x2f: {  	lr =	sadd.s32 s0, s3;
	s0 =	sld [smem:$0x3FA8]  }
0x30: {  	s3 =	sld [smem:$0x3FAB]  }
0x31: {  	[smem:$0x3FB4] =	sst s10  }
0x32: {  	s10 =	sld [smem:$0x3FB2];
	_ =	sdelay $0x3  }
0x33: {  	p0 =	seq.s32 s10, $0x1;
	s10 =	sld [smem:$0x3FB4];
	_ =	sdelay $0x3  }
0x34: {  	[smem:$0x3FB4] =	sst s10  }
0x35: {  	s10 =	sld [smem:$0x3FB3];
	_ =	sdelay $0x3  }
0x36: {  	p1 =	seq.s32 s10, $0x1;
	s10 =	sld [smem:$0x3FB4];
	_ =	sdelay $0x3  }
0x37: {  	[smem:$0x3FB4] =	sst s10  }
0x38: {  	s10 =	sld [smem:$0x3FB5]  }
0x39: {  	_ = 	snop;
	(pc) =	sbr.ind lr, $3  }
0x3a: {  	_ = 	snop  }
0x3b: {  	_ = 	snop  }
0x3c: {  	p2 =	seq.s32 s10, $0x1;
	s10 =	sld [smem:$0x3FB4]  }
0x3d: {  	_ =	shalt  }
0x3e: {  	_ =	shalt  }
0x3f: {  	_ =	shalt  }
0x40: {  	_ =	shalt  }
0x41: {  	_ =	shalt  }
0x42: {  	_ =	shalt  }
0x43: {  	_ =	shalt  }
0x44: {  	_ =	shalt  }
0x45: {  	_ =	shalt  }
0x46: {  	_ =	shalt  }
0x47: {  	_ =	shalt  }
0x48: {  	_ =	shalt  }
0x49: {  	_ =	shalt  }
0x4a: {  	_ =	shalt  }
0x4b: {  	_ =	shalt  }
0x4c: {  	_ =	shalt  }
0x4d: {  	_ =	shalt  }
0x4e: {  	_ =	shalt  }
0x4f: {  	_ =	shalt  }
0x50: {  	_ =	shalt  }
0x51: {  	_ =	shalt  }
0x52: {  	_ =	shalt  }
0x53: {  	_ =	shalt  }
0x54: {  	_ =	shalt  }
0x55: {  	_ =	shalt  }
0x56: {  	_ =	shalt  }
0x57: {  	_ =	shalt  }
0x58: {  	_ =	shalt  }
0x59: {  	_ =	shalt  }
0x5a: {  	_ =	shalt  }
0x5b: {  	_ =	shalt  }
0x5c: {  	_ =	shalt  }
0x5d: {  	_ =	shalt  }
0x5e: {  	_ =	shalt  }
0x5f: {  	_ =	shalt  }
0x60: {  	_ =	shalt  }
0x61: {  	_ =	shalt  }
0x62: {  	_ =	shalt  }
0x63: {  	_ =	shalt  }
0x64: {  	_ =	shalt  }
0x65: {  	_ =	shalt  }
0x66: {  	_ =	shalt  }
0x67: {  	_ =	shalt  }
0x68: {  	_ =	shalt  }
0x69: {  	_ =	shalt  }
0x6a: {  	_ =	shalt  }
0x6b: {  	_ =	shalt  }
0x6c: {  	_ =	shalt  }
0x6d: {  	_ =	shalt  }
0x6e: {  	_ =	shalt  }
0x6f: {  	_ =	shalt  }
0x70: {  	_ =	shalt  }
0x71: {  	_ =	shalt  }
0x72: {  	_ =	shalt  }
0x73: {  	_ =	shalt  }
0x74: {  	_ =	shalt  }
0x75: {  	_ =	shalt  }
0x76: {  	_ =	shalt  }
0x77: {  	_ =	shalt  }
0x78: {  	_ =	shalt  }
0x79: {  	_ =	shalt  }
0x7a: {  	_ =	shalt  }
0x7b: {  	_ =	shalt  }
0x7c: {  	_ =	shalt  }
0x7d: {  	_ =	shalt  }
0x7e: {  	_ =	shalt  }
0x7f: {  	_ =	shalt  }
0x80: {  	_ =	shalt  }
0x81: {  	_ =	shalt  }
0x82: {  	_ =	shalt  }
0x83: {  	_ =	shalt  }
0x84: {  	_ =	shalt  }
0x85: {  	_ =	shalt  }
0x86: {  	_ =	shalt  }
0x87: {  	_ =	shalt  }
.Lfunc_end0:
.L_simem_size_0:
called_computation_lowered:
.L_overlay_start_0:
0x88: {  	s2 =	sld [smem:$0x3FD9]  }
0x89: {  	s3 =	sld [smem:$0x3FFE];
	_ =	sdelay $0x1  }
0x8a: {  	s1 =	srdreg.scid  }
0x8b: {  	s0 =	sand.u32 $0x1, s1  }
0x8c: {  	s17 =	sshll.u32 s0, $0xA;
	s2 =	sadd.s32 s3, s2  }
0x8d: {  	s2 =	sadd.s32 s2, s17  }
0x8e: {  	[smem:$0x3FC0] =	sst s2  }
0x8f: {  	_ = 	snop  }
0x90: {  	s2 =	sld [smem:$0x3FC6]  }
0x91: {  	s18 =	sld [smem:$0x3FC5];
	(tm) =	ssettm $0x1  }
0x92: {  	s4 =	sld [smem:$0x3FFB];
	_ =	sdelay $0x3  }
0x93: {  	_ =	strace s4  }
0x94: {  	s4 =	sld [smem:$0x3FFC];
	_ =	sdelay $0x3  }
0x95: {  	_ =	strace s4  }
0x96: {  	s4 =	sld [smem:$0x3FFD];
	_ =	sdelay $0x3  }
0x97: {  	_ =	strace s4  }
0x98: {  	_ =	strace $0x8FFFFFFF  }
0x99: {  	s19 =	sld [smem:$0x3FDB];
	_ =	sdelay $0x1  }
0x9a: {  	s5 =	simm.s32 $_scs_section_size  }
0x9b: {  	s6 =	simm.s32 $_size__tile_overlayer_lowered;
	s7 =	simm.s32 $_tile_overlayer_lowered  }
0x9c: {  	s22 =	simm.s32 $0x1BFF;
	s21 =	sshll.u32 s7, $0x1;
	s4 =	sadd.s32 s5, s19  }
0x9d: {  	s8 =	simm.s32 $0x0;
	s20 =	sshll.u32 s6, $0x1;
	s6 =	sadd.s32 s21, s4  }
0x9e: {  	[timem:s8], [sflag:s22] =	dma.local [hbm:s6], s20  }
0x9f: {  	_ =	swait.ge [sflag:s22], s20  }
0xa0: {  	s5 =	ssub.s32 $0x0, s20;
	[sflag:s22] =	ssyncset.done $0x0  }
0xa1: {  	[sflag:s22] =	ssyncadd.s32 s5;
	_ =	sdelay $0x1  }
0xa2: {  	s23 =	simm.s32 $0x1B8B  }
0xa3: {  	_ =	swait.ge [sflag:s23], $0x1  }
0xa4: {  	[sflag:s23] =	ssyncset.done $0x0  }
0xa5: {  	s25 =	simm.s32 $0x1B8E;
	s24 =	sld [smem:$0x3FFE];
	[sflag:s23] =	ssyncadd.s32 $0xFFFFFFFF  }
0xa6: {  	s26 =	simm.s32 $execute0_lowered;
	[smem:$0x3FD2] =	sst s25  }
0xa7: {  	s6 =	sshll.u32 s26, $0x1;
	_ =	strace $0x80000046;
	[dreg:$0x1] =	wrdreg $0xFFFFFFFF  }
0xa8: {  	s28 =	simm.s32 $_size_execute0_lowered;
	s4 =	sadd.s32 s4, s6;
	[dreg:$0x0] =	wrdreg $0x0  }
0xa9: {  	s6 =	sshll.u32 s28, $0x1;
	[dreg:$0x2] =	wrdreg s4  }
0xaa: {  	[dreg:$0x3] =	wrdreg s6  }
0xab: {  	[dreg:$0x4] =	wrdreg $0xC0  }
0xac: {  	_ =	task [dreg:s8], $0x5FFFF  }
0xad: {  	[dreg:$0x1] =	wrdreg $0xFFFFFFFF  }
0xae: {  	[dreg:$0x0] =	wrdreg $0x60  }
0xaf: {  	[dreg:$0x2] =	wrdreg s18  }
0xb0: {  	[dreg:$0x3] =	wrdreg s24  }
0xb1: {  	[dreg:$0x4] =	wrdreg s2  }
0xb2: {  	[dreg:$0x5] =	wrdreg $0x9  }
0xb3: {  	_ =	task.clear_ibuf [dreg:s8], $0x6FFFF;
	_ =	strace $0x90000046  }
0xb4: {  	s29 =	simm.s32 $0x9;
	_ =	strace $0x80000048  }
0xb5: {  	_ =	swait.ge [sflag:s29], $0x1  }
0xb6: {  	[sflag:s29] =	ssyncadd.s32 $0xFFFFFFFF  }
0xb7: {  	_ =	strace $0x90000048  }
0xb8: {  	_ =	sfence  }
0xb9: {  	s30 =	sld [smem:$0x0];
	_ =	sdelay $0x2  }
0xba: {  	s31 =	sshll.u32 s1, $0xD;
	s1 =	sshrl.u32 s1, $0x2  }
0xbb: {  	s3 =	sand.u32 $0x4000, s31;
	s1 =	sadd.s32 s1, s30  }
0xbc: {  	s0 =	sor.u32 s3, s0;
	s1 =	sshll.u32 s1, $0x11  }
0xbd: {  	s0 =	sor.u32 s1, s0  }
0xbe: {  	s0 =	sadd.s32 $0x8F2B, s0  }
0xbf: {  	[sflag:s0] =	ssyncadd.remote.s32 $0x1  }
0xc0: {  	_ =	sfence.sel $0xFFFF  }
0xc1: {  	[dreg:$0x0] =	wrdreg $0xFFFFFFFF;
	(pc) =	sbr.abs _section_cstart, $3  }
0xc2: {  	[dreg:$0x1] =	wrdreg $0xFFFFFFFF  }
0xc3: {  	_ =	task.clear_ibuf [dreg:s8], $0x2FFFF;
	_ =	strace $0x9FFFFFFF  }
0xc4: {  	(tm) =	ssettm $0x7FFFFFFF  }
0xc5: {  	_ =	shalt  }
tec
execute0_lowered:
.L_overlay_start_1:
0x0: {  	(tag) =	ssettag $0x1  }
0x1: {  	s1 =	rddreg [dreg:$0x0]  }
0x2: {  	s6 =	rddreg [dreg:$0x1];
	s2 =	srdreg.scid  }
0x3: {  	s0 =	stileid.u32;
	s3 =	rddreg [dreg:$0x2];
	s4 =	simm.s32 $0x0  }
0x4: {  	s12 =	simm.s32 $0x2000;
	s13 =	simm.s32 $0x80;
	s14 =	simm.s32 $0x2080  }
0x5: {  	s15 =	simm.s32 $0x6080;
	s16 =	simm.s32 $0x1;
	s17 =	simm.s32 $0x2  }
0x6: {  	s5 =	sand.u32 $0x1, s2;
	s7 =	sshll.u32 s0, $0x1;
	s2 =	rddreg [dreg:$0x3]  }
0x7: {  	s18 =	simm.s32 $0x0;
	[smem:$0x7FF] =	sst s4;
	s7 =	sor.u32 s5, s7  }
0x8: {  	_ =	strace $0x80000047;
	s11 =	ssub.s32 $0x2, s5;
	s5 =	sadd.s32 $0xA800, s6  }
0x9: {  	s8 =	sshll.u32 s7, $0xA;
	s9 =	sshll.u32 s7, $0x4;
	s10 =	sshll.u32 s7, $0xB  }
0xa: {  	s30 =	sshrl.u32 s11, $0x1;
	s31 =	sshll.u32 s7, $0x10;
	s8 =	sadd.s32 s8, s6  }
0xb: {  	s9 =	sadd.s32 s9, s6;
	s10 =	sadd.s32 s10, s6;
	s11 =	ssub.s32 s11, s30  }
0xc: {  	s6 =	sadd.s32 $0x2600, s8;
	s7 =	sadd.s32 $0xA600, s9;
	s8 =	sadd.s32 $0xFFFFE800, s31  }
0xd: {  	s9 =	sadd.s32 $0x4A800, s10;
	s10 =	smax.u32 s11, $0x1;
	s11 =	simm.s32 $0x3  }
.LBB2_1:
0xe: {  	[tilespmem:s4], [sflag:$0x3] =	stream.linear.gather [hbm4b:s6+s4], $0x2000, $0x38;
	[tilespmem:$0xC080] =	vst v63  }
0xf: {  	_ =	swait.ge [sflag:s11], $0x2000  }
0x10: {  	[sflag:s11] =	ssyncset.done $0x0  }
0x11: {  	[sflag:s11] =	ssyncadd.s32 $0xFFFFE000  }
0x12: {  	[tilespmem:s12], [sflag:$0x3] =	stream.linear.gather [hbm4b:s7+s4], $0x80, $0x38;
	[tilespmem:$0xC080] =	vst v63  }
0x13: {  	_ =	swait.ge [sflag:s11], $0x80  }
0x14: {  	[sflag:s11] =	ssyncset.done $0x0  }
0x15: {  	s19 =	simm.s32 $0x0;
	[sflag:s11] =	ssyncadd.s32 $0xFFFFFF80  }
0x16: {  	[tilespmem:s14], [sflag:$0x1] =	stream.indirect.gather [hbm4b:s1+s13], $0x80, s4, s13, $0xb8;
	[tilespmem:$0xC080] =	vst v63  }
.LBB2_2:
0x17: {  	s21 =	sshllo.u32 s19, $0x1  }
0x18: {  	s20 =	sshll.u32 s21, $0x7  }
0x19: {  	s20 =	sand.u32 $0x3FFFFF80, s20  }
0x1a: {  	[tilespmem:s15], [sflag:$0x2] =	stream.indirect.gather [hbm4b:s1+s13], $0x80, s20, s13, $0xb8;
	[tilespmem:$0xC080] =	vst v63  }
0x1b: {  	s20 =	sshll.u32 s19, $0xB  }
0x1c: {  	_ =	swait.ge [sflag:s16], $0x4000;
	s22 =	sand.u32 $0x1800, s20  }
0x1d: {  	[sflag:s16] =	ssyncset.done $0x0;
	s24 =	sor.u32 $0xA080, s22  }
0x1e: {  	s23 =	simm.s32 $0x2100;
	s22 =	simm.s32 $0x0;
	[sflag:s16] =	ssyncadd.s32 $0xFFFFC000;
	v0 =	vmov s24  }
.LBB2_3:
0x1f: {  	s24 =	sshll.u32 s22, $0xD  }
0x20: {  	s24 =	sshra.s32 s24, $0x2  }
0x21: {  	v11 =	vld [tilespmem:s24+$0x2080]  }
0x22: {  	v8 =	vld [tilespmem:s24+$0x2090]  }
0x23: {  	v7 =	vld [tilespmem:s24+$0x20A0]  }
0x24: {  	v6 =	vmov s23;
	v5 =	vld [tilespmem:s24+$0x20B0]  }
0x25: {  	v4 =	vld [tilespmem:s24+$0x20C0]  }
0x26: {  	v2 =	vld [tilespmem:s24+$0x20D0]  }
0x27: {  	v1 =	vld [tilespmem:s24+$0x20E0]  }
0x28: {  	s26 =	simm.s32 $0x0;
	v3 =	vld [tilespmem:s24+$0x20F0]  }
0x29: {  	v15 =	vld.idx.msk [tilespmem:v6+s26+$0x70 ss:$0x1], $0xffff  }
0x2a: {  	v16 =	vld.idx.msk [tilespmem:v6+s26+$0x0 ss:$0x1], $0xffff  }
0x2b: {  	v14 =	vld.idx.msk [tilespmem:v6+s26+$0x10 ss:$0x1], $0xffff  }
0x2c: {  	v13 =	vld.idx.msk [tilespmem:v6+s26+$0x20 ss:$0x1], $0xffff  }
0x2d: {  	v12 =	vld.idx.msk [tilespmem:v6+s26+$0x30 ss:$0x1], $0xffff  }
0x2e: {  	v10 =	vld.idx.msk [tilespmem:v6+s26+$0x40 ss:$0x1], $0xffff  }
0x2f: {  	v9 =	vld.idx.msk [tilespmem:v6+s26+$0x50 ss:$0x1], $0xffff  }
0x30: {  	s25 =	simm.s32 $0x400;
	s24 =	simm.s32 $0x80;
	v3 =	vadd.f32 v15, v3;
	v15 =	vadd.f32 v16, v11;
	v11 =	vld.idx.msk [tilespmem:v6+s26+$0x60 ss:$0x1], $0xffff  }
.LBB2_4:
0x31: {  	p0 =	sne.s32 s25, $0x1C00;
	v16 =	vld.idx.msk [tilespmem:v6+s24+$0x70 ss:$0x1], $0xffff;
	v8 =	vadd.f32 v14, v8  }
0x32: {  	v7 =	vadd.f32 v13, v7;
	v17 =	vld.idx.msk [tilespmem:v6+s24+$0x0 ss:$0x1], $0xffff  }
0x33: {  	v5 =	vadd.f32 v12, v5;
	v14 =	vld.idx.msk [tilespmem:v6+s24+$0x10 ss:$0x1], $0xffff  }
.Ltmp0:
0x34: {  	v4 =	vadd.f32 v10, v4;
	v13 =	vld.idx.msk [tilespmem:v6+s24+$0x20 ss:$0x1], $0xffff;
	(pc) =	sbr.rel @p0 .LBB2_4-.Ltmp0, $4  }
0x35: {  	v2 =	vadd.f32 v9, v2;
	v12 =	vld.idx.msk [tilespmem:v6+s24+$0x30 ss:$0x1], $0xffff  }
0x36: {  	v1 =	vadd.f32 v11, v1;
	v10 =	vld.idx.msk [tilespmem:v6+s24+$0x40 ss:$0x1], $0xffff  }
0x37: {  	v3 =	vadd.f32 v16, v3;
	v9 =	vld.idx.msk [tilespmem:v6+s24+$0x50 ss:$0x1], $0xffff  }
0x38: {  	v15 =	vadd.f32 v17, v15;
	v11 =	vld.idx.msk [tilespmem:v6+s24+$0x60 ss:$0x1], $0xffff;
	s24 =	sshra.s32 s25, $0x2;
	s25 =	sadd.s32 $0x200, s25  }
0x39: {  	_ =	sdelay $0x3  }
0x3a: {  	v17 =	vld.idx.msk [tilespmem:v6+s24+$0x0 ss:$0x1], $0xffff  }
0x3b: {  	v18 =	vld.idx.msk [tilespmem:v6+s24+$0x10 ss:$0x1], $0xffff  }
0x3c: {  	v19 =	vld.idx.msk [tilespmem:v6+s24+$0x20 ss:$0x1], $0xffff  }
0x3d: {  	v20 =	vld.idx.msk [tilespmem:v6+s24+$0x30 ss:$0x1], $0xffff  }
0x3e: {  	v8 =	vadd.f32 v14, v8;
	v60 =	vld.idx.msk [tilespmem:v6+s24+$0x40 ss:$0x1], $0xffff  }
0x3f: {  	v7 =	vadd.f32 v13, v7;
	v62 =	vld.idx.msk [tilespmem:v6+s24+$0x50 ss:$0x1], $0xffff;
	s25 =	sshll.u32 s22, $0x7;
	v61 =	vadd.f32 v17, v15  }
0x40: {  	v63 =	vld.idx.msk [tilespmem:v6+s24+$0x60 ss:$0x1], $0xffff;
	v5 =	vadd.f32 v12, v5;
	s31 =	sand.u32 $0x3FFFFF80, s25;
	v8 =	vadd.f32 v18, v8  }
0x41: {  	v16 =	vld.idx.msk [tilespmem:v6+s24+$0x70 ss:$0x1], $0xffff;
	v4 =	vadd.f32 v10, v4;
	v7 =	vadd.f32 v19, v7;
	[tilespmem:v0+s31+$0x0 ss:$0x1] =	vst.idx.msk $0xffff, v61  }
0x42: {  	s22 =	sadd.s32 $0x1, s22;
	v2 =	vadd.f32 v9, v2;
	v5 =	vadd.f32 v20, v5;
	[tilespmem:v0+s31+$0x10 ss:$0x1] =	vst.idx.msk $0xffff, v8  }
0x43: {  	p0 =	sne.s32 s22, $0x8;
	v1 =	vadd.f32 v11, v1;
	v4 =	vadd.f32 v60, v4;
	[tilespmem:v0+s31+$0x20 ss:$0x1] =	vst.idx.msk $0xffff, v7  }
.Ltmp1:
0x44: {  	v2 =	vadd.f32 v62, v2;
	[tilespmem:v0+s31+$0x30 ss:$0x1] =	vst.idx.msk $0xffff, v5;
	(pc) =	sbr.rel @p0 .LBB2_3-.Ltmp1, $4  }
0x45: {  	v1 =	vadd.f32 v63, v1;
	[tilespmem:v0+s31+$0x40 ss:$0x1] =	vst.idx.msk $0xffff, v4  }
0x46: {  	v3 =	vadd.f32 v16, v3;
	[tilespmem:v0+s31+$0x50 ss:$0x1] =	vst.idx.msk $0xffff, v2  }
0x47: {  	[tilespmem:v0+s31+$0x60 ss:$0x1] =	vst.idx.msk $0xffff, v1  }
0x48: {  	s23 =	sadd.s32 $0x800, s23;
	[tilespmem:v0+s31+$0x70 ss:$0x1] =	vst.idx.msk $0xffff, v3  }
0x49: {  	p0 =	seq.s32 s19, $0x1F  }
0x4a: {  	s22 =	sshll.u32 @!p0 s19, $0x8  }
0x4b: {  	s21 =	sshll.u32 s21, $0xA;
	s22 =	sand.u32 @!p0 $0x3FFFFF00, s22  }
0x4c: {  	s23 =	simm.s32 @!p0 $0x80;
	s24 =	simm.s32 @!p0 $0x2080;
	s22 =	sadd.s32 @!p0 $0x100, s22  }
0x4d: {  	[tilespmem:s24], [sflag:$0x1] =	stream.indirect.gather @!p0 [hbm4b:s1+s23], $0x80, s22, s23, $0xb8;
	[tilespmem:$0xC080] =	vst v63  }
0x4e: {  	s30 =	sand.u32 $0x1C00, s21;
	_ =	swait.ge [sflag:s17], $0x4000  }
0x4f: {  	s21 =	sadd.s32 $0x1, s19;
	s31 =	sor.u32 $0xA080, s30;
	[sflag:s17] =	ssyncset.done $0x0  }
0x50: {  	v0 =	vmov s31;
	s22 =	simm.s32 $0x0;
	s23 =	simm.s32 $0x2080;
	[sflag:s17] =	ssyncadd.s32 $0xFFFFC000  }
.LBB2_7:
0x51: {  	s24 =	sshll.u32 s22, $0xD  }
0x52: {  	s24 =	sshra.s32 s24, $0x2  }
0x53: {  	v11 =	vld [tilespmem:s24+$0x6080]  }
0x54: {  	v8 =	vld [tilespmem:s24+$0x6090]  }
0x55: {  	v7 =	vld [tilespmem:s24+$0x60A0]  }
0x56: {  	v6 =	vmov s23;
	v5 =	vld [tilespmem:s24+$0x60B0]  }
0x57: {  	v4 =	vld [tilespmem:s24+$0x60C0]  }
0x58: {  	v2 =	vld [tilespmem:s24+$0x60D0]  }
0x59: {  	v1 =	vld [tilespmem:s24+$0x60E0]  }
0x5a: {  	s26 =	simm.s32 $0x0;
	v3 =	vld [tilespmem:s24+$0x60F0]  }
0x5b: {  	v15 =	vld.idx.msk [tilespmem:v6+s26+$0x40F0 ss:$0x1], $0xffff  }
0x5c: {  	v16 =	vld.idx.msk [tilespmem:v6+s26+$0x4080 ss:$0x1], $0xffff  }
0x5d: {  	v14 =	vld.idx.msk [tilespmem:v6+s26+$0x4090 ss:$0x1], $0xffff  }
0x5e: {  	v13 =	vld.idx.msk [tilespmem:v6+s26+$0x40A0 ss:$0x1], $0xffff  }
0x5f: {  	v12 =	vld.idx.msk [tilespmem:v6+s26+$0x40B0 ss:$0x1], $0xffff  }
0x60: {  	v10 =	vld.idx.msk [tilespmem:v6+s26+$0x40C0 ss:$0x1], $0xffff  }
0x61: {  	v9 =	vld.idx.msk [tilespmem:v6+s26+$0x40D0 ss:$0x1], $0xffff  }
0x62: {  	s25 =	simm.s32 $0x400;
	s24 =	simm.s32 $0x80;
	v3 =	vadd.f32 v15, v3;
	v15 =	vadd.f32 v16, v11;
	v11 =	vld.idx.msk [tilespmem:v6+s26+$0x40E0 ss:$0x1], $0xffff  }
.LBB2_8:
0x63: {  	p0 =	sne.s32 s25, $0x1C00;
	v16 =	vld.idx.msk [tilespmem:v6+s24+$0x40F0 ss:$0x1], $0xffff;
	v8 =	vadd.f32 v14, v8  }
0x64: {  	v7 =	vadd.f32 v13, v7;
	v17 =	vld.idx.msk [tilespmem:v6+s24+$0x4080 ss:$0x1], $0xffff  }
0x65: {  	v5 =	vadd.f32 v12, v5;
	v14 =	vld.idx.msk [tilespmem:v6+s24+$0x4090 ss:$0x1], $0xffff  }
.Ltmp2:
0x66: {  	v4 =	vadd.f32 v10, v4;
	v13 =	vld.idx.msk [tilespmem:v6+s24+$0x40A0 ss:$0x1], $0xffff;
	(pc) =	sbr.rel @p0 .LBB2_8-.Ltmp2, $4  }
0x67: {  	v2 =	vadd.f32 v9, v2;
	v12 =	vld.idx.msk [tilespmem:v6+s24+$0x40B0 ss:$0x1], $0xffff  }
0x68: {  	v1 =	vadd.f32 v11, v1;
	v10 =	vld.idx.msk [tilespmem:v6+s24+$0x40C0 ss:$0x1], $0xffff  }
0x69: {  	v3 =	vadd.f32 v16, v3;
	v9 =	vld.idx.msk [tilespmem:v6+s24+$0x40D0 ss:$0x1], $0xffff  }
0x6a: {  	v15 =	vadd.f32 v17, v15;
	v11 =	vld.idx.msk [tilespmem:v6+s24+$0x40E0 ss:$0x1], $0xffff;
	s24 =	sshra.s32 s25, $0x2;
	s25 =	sadd.s32 $0x200, s25  }
0x6b: {  	_ =	sdelay $0x3  }
0x6c: {  	v17 =	vld.idx.msk [tilespmem:v6+s24+$0x4080 ss:$0x1], $0xffff  }
0x6d: {  	v18 =	vld.idx.msk [tilespmem:v6+s24+$0x4090 ss:$0x1], $0xffff  }
0x6e: {  	v19 =	vld.idx.msk [tilespmem:v6+s24+$0x40A0 ss:$0x1], $0xffff  }
0x6f: {  	v20 =	vld.idx.msk [tilespmem:v6+s24+$0x40B0 ss:$0x1], $0xffff  }
0x70: {  	v8 =	vadd.f32 v14, v8;
	v60 =	vld.idx.msk [tilespmem:v6+s24+$0x40C0 ss:$0x1], $0xffff  }
0x71: {  	v7 =	vadd.f32 v13, v7;
	v62 =	vld.idx.msk [tilespmem:v6+s24+$0x40D0 ss:$0x1], $0xffff;
	s25 =	sshll.u32 s22, $0x7;
	v61 =	vadd.f32 v17, v15  }
0x72: {  	v63 =	vld.idx.msk [tilespmem:v6+s24+$0x40E0 ss:$0x1], $0xffff;
	v5 =	vadd.f32 v12, v5;
	s31 =	sand.u32 $0x3FFFFF80, s25;
	v8 =	vadd.f32 v18, v8  }
0x73: {  	v16 =	vld.idx.msk [tilespmem:v6+s24+$0x40F0 ss:$0x1], $0xffff;
	v4 =	vadd.f32 v10, v4;
	v7 =	vadd.f32 v19, v7;
	[tilespmem:v0+s31+$0x0 ss:$0x1] =	vst.idx.msk $0xffff, v61  }
0x74: {  	s22 =	sadd.s32 $0x1, s22;
	v2 =	vadd.f32 v9, v2;
	v5 =	vadd.f32 v20, v5;
	[tilespmem:v0+s31+$0x10 ss:$0x1] =	vst.idx.msk $0xffff, v8  }
0x75: {  	p0 =	sne.s32 s22, $0x8;
	v1 =	vadd.f32 v11, v1;
	v4 =	vadd.f32 v60, v4;
	[tilespmem:v0+s31+$0x20 ss:$0x1] =	vst.idx.msk $0xffff, v7  }
.Ltmp3:
0x76: {  	v2 =	vadd.f32 v62, v2;
	[tilespmem:v0+s31+$0x30 ss:$0x1] =	vst.idx.msk $0xffff, v5;
	(pc) =	sbr.rel @p0 .LBB2_7-.Ltmp3, $4  }
0x77: {  	v1 =	vadd.f32 v63, v1;
	[tilespmem:v0+s31+$0x40 ss:$0x1] =	vst.idx.msk $0xffff, v4  }
0x78: {  	v3 =	vadd.f32 v16, v3;
	[tilespmem:v0+s31+$0x50 ss:$0x1] =	vst.idx.msk $0xffff, v2  }
0x79: {  	[tilespmem:v0+s31+$0x60 ss:$0x1] =	vst.idx.msk $0xffff, v1  }
0x7a: {  	s23 =	sadd.s32 $0x800, s23;
	[tilespmem:v0+s31+$0x70 ss:$0x1] =	vst.idx.msk $0xffff, v3  }
0x7b: {  	s19 =	sand.u32 $0x3, s19  }
0x7c: {  	p0 =	sne.s32 s19, $0x3  }
0x7d: {  	s19 =	sadd.s32 @!p0 s8, s20  }
0x7e: {  	p1 =	sne.s32 s21, $0x20;
	s19 =	sshrl.u32 @!p0 s19, $0x3  }
0x7f: {  	s20 =	simm.s32 @!p0 $0x0;
	s22 =	simm.s32 @!p0 $0xA080;
	s19 =	sadd.s32 @!p0 s5, s19  }
0x80: {  	[hbm4b:s19+s20] =	stream.linear.scatter @!p0 [tilespmem:s22], [sflag:$0x3], $0x2000, $0x38;
	[tilespmem:$0xC080] =	vst v63  }
.Ltmp4:
0x81: {  	_ = 	snop;
	(pc) =	sbr.rel @p1 .LBB2_2-.Ltmp4, $4  }
0x82: {  	s19 =	simm.s32 @!p0 $0x3  }
0x83: {  	_ =	swait.ge @!p0 [sflag:s19], $0x2000  }
0x84: {  	[sflag:s19] =	ssyncset.done @!p0 $0x0  }
0x85: {  	[sflag:s19] =	ssyncadd.s32 @!p0 $0xFFFFE000;
	s19 =	smov.u32 s21  }
0x86: {  	[tilespmem:s14], [sflag:$0x1] =	stream.indirect.gather [hbm4b:s3+s13], $0x80, s12, s13, $0xb8;
	[tilespmem:$0xC080] =	vst v63  }
0x87: {  	s18 =	sadd.s32 $0x1, s18;
	_ =	swait.ge [sflag:s16], $0x4000  }
0x88: {  	p0 =	sne.s32 s18, s10;
	[sflag:s16] =	ssyncset.done $0x0  }
.Ltmp5:
0x89: {  	[sflag:s16] =	ssyncadd.s32 $0xFFFFC000;
	(pc) =	sbr.rel @p0 .LBB2_1-.Ltmp5, $4  }
0x8a: {  	[hbm4b:s9+s4] =	stream.linear.scatter [tilespmem:s14], [sflag:$0x3], $0x4000, $0x38;
	[tilespmem:$0xC080] =	vst v63  }
0x8b: {  	_ =	swait.ge [sflag:s11], $0x4000  }
0x8c: {  	[sflag:s11] =	ssyncset.done $0x0  }
0x8d: {  	[sflag:s11] =	ssyncadd.s32 $0xFFFFC000  }
0x8e: {  	_ =	sfence.sel $0x180000  }
0x8f: {  	[bflag:$0x0] =	sbarrier.arrive $0xFFFF  }
0x90: {  	p0 =	sne.s32 s0, $0x0;
	_ =	strace $0x90000047  }
0x91: {  	s0 =	sadd.s32 @!p0 $0x100000, s2;
	[bflag:$0x2] =	sbarrier.arrive $0xFFFF  }
0x92: {  	[sflag:s0] =	ssyncadd.tile.s32 @!p0 $0x1;
	_ =	shalt  }
.Lfunc_end2:
_tile_overlayer_lowered:
.L_overlay_start_2:
0x93: {  	(tag) =	ssettag $0x2  }
0x94: {  	s0 =	rddreg [dreg:$0x0];
	s2 =	stileid.u32  }
0x95: {  	s1 =	rddreg [dreg:$0x1];
	p0 =	sne.s32 s2, $0x0  }
0x96: {  	s3 =	rddreg [dreg:$0x2];
	[bflag:$0x3] =	sbarrier.arrive $0xFFFF;
	s2 =	simm.s32 @!p0 $0x1C03  }
0x97: {  	[timem:s3], [sflag:s2] =	dma.local @!p0 [hbm:s0], s1  }
0x98: {  	s0 =	simm.s32 @!p0 $0x3  }
0x99: {  	_ =	swait.ge @!p0 [sflag:s0], s1  }
0x9a: {  	s1 =	ssub.s32 @!p0 $0x0, s1;
	[sflag:s0] =	ssyncset.done @!p0 $0x0  }
0x9b: {  	[sflag:s0] =	ssyncadd.s32 @!p0 s1  }
0x9c: {  	[bflag:$0x3] =	sbarrier.arrive $0xFFFF  }
0x9d: {  	_ =	shalt  }

// kernel: kernel.9.cloned.1.call-start
scs
__scs_entry_jumppad:
0x0: {  	(pc) =	sbr.rel $0x88, $3  }
0x1: {  	(tag) =	ssettag $0x0;
	lr =	simm.s32 $0x1  }
0x2: {  	[smem:$0x3F99] =	sst lr;
	_ =	strace $0xD0000000  }
0x3: {  	_ = 	snop  }
0x4: {  	_ = 	snop  }
0x5: {  	_ = 	snop  }
0x6: {  	_ = 	snop  }
0x7: {  	_ = 	snop  }
__scs_overlays_trampoline_lowered:
0x8: {  	[smem:$0x3FA8] =	sst s0  }
0x9: {  	[smem:$0x3FA9] =	sst s1  }
0xa: {  	[smem:$0x3FAA] =	sst s2  }
0xb: {  	[smem:$0x3FAB] =	sst s3  }
0xc: {  	[smem:$0x3FAC] =	sst s4  }
0xd: {  	[smem:$0x3FAD] =	sst s5  }
0xe: {  	[smem:$0x3FAE] =	sst s6  }
0xf: {  	[smem:$0x3FAF] =	sst s7  }
0x10: {  	[smem:$0x3FB0] =	sst s8  }
0x11: {  	[smem:$0x3FB1] =	sst s9;
	s0 =	simm.s32 @!p0 $0x0  }
0x12: {  	s1 =	sld [smem:$0x3F97];
	s0 =	simm.s32 @p0 $0x1  }
0x13: {  	[smem:$0x3FB2] =	sst s0;
	s0 =	simm.s32 @!p1 $0x0  }
0x14: {  	s2 =	sld [smem:$0x3F96];
	s0 =	simm.s32 @p1 $0x1  }
0x15: {  	[smem:$0x3FB3] =	sst s0;
	s0 =	simm.s32 @!p2 $0x0  }
0x16: {  	s3 =	sld [smem:$0x3FDB];
	s0 =	simm.s32 @p2 $0x1  }
0x17: {  	s4 =	simm.s32 $0x1BF5;
	[smem:$0x3FB5] =	sst s0  }
0x18: {  	s0 =	sld [smem:$0x3F98];
	_ =	swait.ge [sflag:s4], $0x0  }
0x19: {  	s7 =	sld [smem:$0x3F99]  }
0x1a: {  	s8 =	sadd.s32 $0xFFFFE003, lr  }
0x1b: {  	s9 =	sadd.s32 $0xFFFFFEF7, lr;
	s5 =	simm.s32 $0xFFFFFFFF;
	p2 =	slt.u32 s8, $0xFFFFF086  }
0x1c: {  	p1 =	slt.u32 s9, $0xF7A;
	s5 =	simm.s32 @!p2 $0x0  }
0x1d: {  	s5 =	simm.s32 @p1 $0x1;
	p0 =	seq.s32 s7, s2  }
0x1e: {  	s7 =	smul.u32 @!p0 $0xF7A, s2;
	p2 =	seq.s32 @!p0 s5, $0x0  }
0x1f: {  	s9 =	smul.u32 $0xF7A, s1;
	s8 =	simm.s32 @!p0 $0x1BF5;
	p2 =	por !p2, p0  }
0x20: {  	[sflag:s8] =	ssyncset.s32 @!p0 $0xFFFFF086;
	s6 =	sadd.s32 @!p0 s3, s7;
	s7 =	simm.s32 @!p0 $0x108  }
0x21: {  	s3 =	sadd.s32 s3, s9;
	s6 =	sadd.s32 @!p0 $0x88, s6;
	s7 =	simm.s32 @p2 $0x1082  }
0x22: {  	[simem:s7], [sflag:s8] =	dma.local @!p0 [hbm:s6], $0xF7A  }
0x23: {  	s9 =	sor.u32 $0xD0000000, s2;
	s6 =	simm.s32 $0x108;
	_ =	swait.ge @!p0 [sflag:s8], $0x0  }
0x24: {  	s3 =	sadd.s32 $0x88, s3;
	s6 =	simm.s32 @!p1 $0x1082;
	[sflag:s4] =	ssyncset.s32 $0xFFFFF086  }
0x25: {  	[simem:s6], [sflag:s4] =	dma.local [hbm:s3], $0xF7A  }
0x26: {  	[smem:$0x3F99] =	sst s1;
	(tag) =	ssettag s2;
	_ =	strace s9  }
0x27: {  	s1 =	sld [smem:$0x3FA9]  }
0x28: {  	s2 =	sld [smem:$0x3FAA]  }
0x29: {  	s4 =	sld [smem:$0x3FAC]  }
0x2a: {  	p0 =	seq.s32 s5, $0x0;
	s5 =	sld [smem:$0x3FAD]  }
0x2b: {  	s6 =	sld [smem:$0x3FAE]  }
0x2c: {  	s7 =	sld [smem:$0x3FAF]  }
0x2d: {  	s3 =	simm.s32 $0x108;
	s8 =	sld [smem:$0x3FB0]  }
0x2e: {  	s3 =	simm.s32 @!p0 $0x1082;
	s9 =	sld [smem:$0x3FB1]  }
0x2f: {  	lr =	sadd.s32 s0, s3;
	s0 =	sld [smem:$0x3FA8]  }
0x30: {  	s3 =	sld [smem:$0x3FAB]  }
0x31: {  	[smem:$0x3FB4] =	sst s10  }
0x32: {  	s10 =	sld [smem:$0x3FB2];
	_ =	sdelay $0x3  }
0x33: {  	p0 =	seq.s32 s10, $0x1;
	s10 =	sld [smem:$0x3FB4];
	_ =	sdelay $0x3  }
0x34: {  	[smem:$0x3FB4] =	sst s10  }
0x35: {  	s10 =	sld [smem:$0x3FB3];
	_ =	sdelay $0x3  }
0x36: {  	p1 =	seq.s32 s10, $0x1;
	s10 =	sld [smem:$0x3FB4];
	_ =	sdelay $0x3  }
0x37: {  	[smem:$0x3FB4] =	sst s10  }
0x38: {  	s10 =	sld [smem:$0x3FB5]  }
0x39: {  	_ = 	snop;
	(pc) =	sbr.ind lr, $3  }
0x3a: {  	_ = 	snop  }
0x3b: {  	_ = 	snop  }
0x3c: {  	p2 =	seq.s32 s10, $0x1;
	s10 =	sld [smem:$0x3FB4]  }
0x3d: {  	_ =	shalt  }
0x3e: {  	_ =	shalt  }
0x3f: {  	_ =	shalt  }
0x40: {  	_ =	shalt  }
0x41: {  	_ =	shalt  }
0x42: {  	_ =	shalt  }
0x43: {  	_ =	shalt  }
0x44: {  	_ =	shalt  }
0x45: {  	_ =	shalt  }
0x46: {  	_ =	shalt  }
0x47: {  	_ =	shalt  }
0x48: {  	_ =	shalt  }
0x49: {  	_ =	shalt  }
0x4a: {  	_ =	shalt  }
0x4b: {  	_ =	shalt  }
0x4c: {  	_ =	shalt  }
0x4d: {  	_ =	shalt  }
0x4e: {  	_ =	shalt  }
0x4f: {  	_ =	shalt  }
0x50: {  	_ =	shalt  }
0x51: {  	_ =	shalt  }
0x52: {  	_ =	shalt  }
0x53: {  	_ =	shalt  }
0x54: {  	_ =	shalt  }
0x55: {  	_ =	shalt  }
0x56: {  	_ =	shalt  }
0x57: {  	_ =	shalt  }
0x58: {  	_ =	shalt  }
0x59: {  	_ =	shalt  }
0x5a: {  	_ =	shalt  }
0x5b: {  	_ =	shalt  }
0x5c: {  	_ =	shalt  }
0x5d: {  	_ =	shalt  }
0x5e: {  	_ =	shalt  }
0x5f: {  	_ =	shalt  }
0x60: {  	_ =	shalt  }
0x61: {  	_ =	shalt  }
0x62: {  	_ =	shalt  }
0x63: {  	_ =	shalt  }
0x64: {  	_ =	shalt  }
0x65: {  	_ =	shalt  }
0x66: {  	_ =	shalt  }
0x67: {  	_ =	shalt  }
0x68: {  	_ =	shalt  }
0x69: {  	_ =	shalt  }
0x6a: {  	_ =	shalt  }
0x6b: {  	_ =	shalt  }
0x6c: {  	_ =	shalt  }
0x6d: {  	_ =	shalt  }
0x6e: {  	_ =	shalt  }
0x6f: {  	_ =	shalt  }
0x70: {  	_ =	shalt  }
0x71: {  	_ =	shalt  }
0x72: {  	_ =	shalt  }
0x73: {  	_ =	shalt  }
0x74: {  	_ =	shalt  }
0x75: {  	_ =	shalt  }
0x76: {  	_ =	shalt  }
0x77: {  	_ =	shalt  }
0x78: {  	_ =	shalt  }
0x79: {  	_ =	shalt  }
0x7a: {  	_ =	shalt  }
0x7b: {  	_ =	shalt  }
0x7c: {  	_ =	shalt  }
0x7d: {  	_ =	shalt  }
0x7e: {  	_ =	shalt  }
0x7f: {  	_ =	shalt  }
0x80: {  	_ =	shalt  }
0x81: {  	_ =	shalt  }
0x82: {  	_ =	shalt  }
0x83: {  	_ =	shalt  }
0x84: {  	_ =	shalt  }
0x85: {  	_ =	shalt  }
0x86: {  	_ =	shalt  }
0x87: {  	_ =	shalt  }
.Lfunc_end0:
.L_simem_size_0:
called_computation.1_lowered:
.L_overlay_start_0:
0x88: {  	s2 =	sld [smem:$0x3FD9]  }
0x89: {  	s3 =	sld [smem:$0x3FFE];
	_ =	sdelay $0x1  }
0x8a: {  	s1 =	srdreg.scid  }
0x8b: {  	s0 =	sand.u32 $0x1, s1  }
0x8c: {  	s17 =	sshll.u32 s0, $0xA;
	s2 =	sadd.s32 s3, s2  }
0x8d: {  	s2 =	sadd.s32 s2, s17  }
0x8e: {  	[smem:$0x3FC0] =	sst s2  }
0x8f: {  	_ = 	snop  }
0x90: {  	s18 =	sld [smem:$0x3FC6]  }
0x91: {  	s5 =	sld [smem:$0x3FC5]  }
0x92: {  	s4 =	sld [smem:$0x3FD0];
	(tm) =	ssettm $0x1  }
0x93: {  	s19 =	sld [smem:$0x3FFB];
	_ =	sdelay $0x3  }
0x94: {  	_ =	strace s19  }
0x95: {  	s2 =	sld [smem:$0x3FFC];
	_ =	sdelay $0x3  }
0x96: {  	_ =	strace s2  }
0x97: {  	s2 =	sld [smem:$0x3FFD];
	_ =	sdelay $0x3  }
0x98: {  	_ =	strace s2  }
0x99: {  	_ =	strace $0x8FFFFFFF  }
0x9a: {  	s20 =	sld [smem:$0x3FDB];
	_ =	sdelay $0x1  }
0x9b: {  	s6 =	simm.s32 $_scs_section_size  }
0x9c: {  	s7 =	simm.s32 $_size__tile_overlayer_lowered;
	s8 =	simm.s32 $_tile_overlayer_lowered  }
0x9d: {  	s9 =	simm.s32 $0x1BFF;
	s21 =	sshll.u32 s8, $0x1;
	s6 =	sadd.s32 s6, s20  }
0x9e: {  	s22 =	simm.s32 $0x0;
	s7 =	sshll.u32 s7, $0x1;
	s8 =	sadd.s32 s21, s6  }
0x9f: {  	[timem:s22], [sflag:s9] =	dma.local [hbm:s8], s7  }
0xa0: {  	_ =	swait.ge [sflag:s9], s7  }
0xa1: {  	s7 =	ssub.s32 $0x0, s7;
	[sflag:s9] =	ssyncset.done $0x0  }
0xa2: {  	[sflag:s9] =	ssyncadd.s32 s7;
	_ =	sdelay $0x1  }
0xa3: {  	s23 =	simm.s32 $0x1B8B  }
0xa4: {  	_ =	swait.ge [sflag:s23], $0x1  }
0xa5: {  	[sflag:s23] =	ssyncset.done $0x0  }
0xa6: {  	[sflag:s23] =	ssyncadd.s32 $0xFFFFFFFF  }
0xa7: {  	s7 =	sld [smem:$0x0]  }
0xa8: {  	s8 =	sand.u32 $0xFFFFFFFE, s1  }
0xa9: {  	p0 =	sne.s32 s1, s8  }
0xaa: {  	s8 =	sshll.u32 @p0 s8, $0xE  }
0xab: {  	s8 =	sadd.s32 @p0 $0x11B8D, s8;
	s9 =	sshll.u32 @p0 s7, $0x11  }
0xac: {  	s8 =	sor.u32 @p0 s9, s8  }
0xad: {  	[sflag:s8] =	ssyncadd.remote.s32 @p0 $0x1;
	_ =	sdelay $0x1  }
0xae: {  	s8 =	simm.s32 @p0 $0x1B8D  }
0xaf: {  	_ =	swait.eq @p0 [sflag:s8], $0x1  }
0xb0: {  	[sflag:s8] =	ssyncadd.s32 @p0 $0xFFFFFFFF  }
0xb1: {  	s9 =	sshll.u32 @!p0 s1, $0xE  }
0xb2: {  	s9 =	sor.u32 @!p0 $0x4000, s9;
	s8 =	simm.s32 @!p0 $0x1B8D  }
0xb3: {  	s7 =	sshll.u32 @!p0 s7, $0x11;
	s9 =	sadd.s32 @!p0 $0x11B8D, s9;
	_ =	swait.eq @!p0 [sflag:s8], $0x1  }
0xb4: {  	s7 =	sor.u32 @!p0 s7, s9;
	[sflag:s8] =	ssyncadd.s32 @!p0 $0xFFFFFFFF  }
0xb5: {  	s25 =	simm.s32 $0x1B8E;
	s24 =	sld [smem:$0x3FFE];
	[sflag:s7] =	ssyncadd.remote.s32 @!p0 $0x1  }
0xb6: {  	s26 =	simm.s32 $execute0_lowered;
	[smem:$0x3FD2] =	sst s25  }
0xb7: {  	s8 =	sshll.u32 s26, $0x1;
	_ =	strace $0x80000049;
	[dreg:$0x1] =	wrdreg $0xFFFFFFFF  }
0xb8: {  	s28 =	simm.s32 $_size_execute0_lowered;
	s6 =	sadd.s32 s6, s8;
	[dreg:$0x0] =	wrdreg $0x0  }
0xb9: {  	s8 =	sshll.u32 s28, $0x1;
	[dreg:$0x2] =	wrdreg s6  }
0xba: {  	[dreg:$0x3] =	wrdreg s8  }
0xbb: {  	[dreg:$0x4] =	wrdreg $0xC0  }
0xbc: {  	_ =	task [dreg:s22], $0x5FFFF  }
0xbd: {  	[dreg:$0x1] =	wrdreg $0xFFFFFFFF  }
0xbe: {  	[dreg:$0x0] =	wrdreg $0x60  }
0xbf: {  	[dreg:$0x2] =	wrdreg s5  }
0xc0: {  	[dreg:$0x3] =	wrdreg s24  }
0xc1: {  	[dreg:$0x4] =	wrdreg s18  }
0xc2: {  	[dreg:$0x5] =	wrdreg s4  }
0xc3: {  	[dreg:$0x6] =	wrdreg $0xA  }
0xc4: {  	_ =	task.clear_ibuf [dreg:s22], $0x7FFFF;
	_ =	strace $0x90000049  }
0xc5: {  	s29 =	simm.s32 $0xA;
	_ =	strace $0x8000004B  }
0xc6: {  	_ =	swait.ge [sflag:s29], $0x1  }
0xc7: {  	[sflag:s29] =	ssyncadd.s32 $0xFFFFFFFF  }
0xc8: {  	_ =	strace $0x9000004B  }
0xc9: {  	_ =	sfence  }
0xca: {  	s30 =	sld [smem:$0x0];
	_ =	sdelay $0x2  }
0xcb: {  	s31 =	sshll.u32 s1, $0xD;
	s1 =	sshrl.u32 s1, $0x2  }
0xcc: {  	s4 =	sand.u32 $0x4000, s31;
	s1 =	sadd.s32 s1, s30  }
0xcd: {  	s0 =	sor.u32 s4, s0;
	s1 =	sshll.u32 s1, $0x11  }
0xce: {  	s0 =	sor.u32 s1, s0  }
0xcf: {  	s0 =	sadd.s32 $0x8F2B, s0  }
0xd0: {  	[sflag:s0] =	ssyncadd.remote.s32 $0x1  }
0xd1: {  	_ =	sfence.sel $0xFFFF  }
0xd2: {  	[dreg:$0x0] =	wrdreg $0xFFFFFFFF;
	(pc) =	sbr.abs _section_cstart, $3  }
0xd3: {  	[dreg:$0x1] =	wrdreg $0xFFFFFFFF  }
0xd4: {  	_ =	task.clear_ibuf [dreg:s22], $0x2FFFF;
	_ =	strace $0x9FFFFFFF  }
0xd5: {  	(tm) =	ssettm $0x7FFFFFFF  }
tec
execute0_lowered:
.L_overlay_start_1:
0x0: {  	(tag) =	ssettag $0x1  }
0x1: {  	s1 =	rddreg [dreg:$0x0]  }
0x2: {  	s5 =	rddreg [dreg:$0x1]  }
0x3: {  	s3 =	rddreg [dreg:$0x2]  }
0x4: {  	s9 =	rddreg [dreg:$0x3]  }
0x5: {  	s0 =	rddreg [dreg:$0x4];
	s6 =	srdreg.scid  }
0x6: {  	s2 =	stileid.u32;
	s4 =	simm.s32 $0x0;
	s13 =	simm.s32 $0x80  }
0x7: {  	s14 =	simm.s32 $0x2080;
	s15 =	simm.s32 $0x6080;
	s16 =	simm.s32 $0x1  }
0x8: {  	s17 =	simm.s32 $0x2;
	s6 =	sand.u32 $0x1, s6;
	s7 =	sshll.u32 s2, $0x1  }
0x9: {  	s18 =	simm.s32 $0x0;
	[smem:$0x7FF] =	sst s4;
	s7 =	sor.u32 s6, s7  }
0xa: {  	_ =	strace $0x8000004A;
	s6 =	ssub.s32 $0x2, s6;
	s8 =	sshll.u32 s7, $0xA  }
0xb: {  	s10 =	sshll.u32 s7, $0x4;
	s11 =	sshrl.u32 s6, $0x1;
	s31 =	sshll.u32 s7, $0x10  }
0xc: {  	s12 =	sshll.u32 s7, $0xB;
	s8 =	sadd.s32 s8, s5;
	s10 =	sadd.s32 s10, s5  }
0xd: {  	s5 =	sadd.s32 $0x62A00, s5;
	s11 =	ssub.s32 s6, s11;
	s9 =	sadd.s32 s9, s12  }
0xe: {  	s12 =	simm.s32 $0x2000;
	s6 =	sadd.s32 $0x5AA00, s8;
	s7 =	sadd.s32 $0x5A800, s10  }
0xf: {  	s8 =	sadd.s32 $0xFFFFE800, s31;
	s10 =	smax.u32 s11, $0x1;
	s11 =	simm.s32 $0x3  }
.LBB2_1:
0x10: {  	[tilespmem:s4], [sflag:$0x3] =	stream.linear.gather [hbm4b:s6+s4], $0x2000, $0x38;
	[tilespmem:$0xC080] =	vst v63  }
0x11: {  	_ =	swait.ge [sflag:s11], $0x2000  }
0x12: {  	[sflag:s11] =	ssyncset.done $0x0  }
0x13: {  	[sflag:s11] =	ssyncadd.s32 $0xFFFFE000  }
0x14: {  	[tilespmem:s12], [sflag:$0x3] =	stream.linear.gather [hbm4b:s7+s4], $0x80, $0x38;
	[tilespmem:$0xC080] =	vst v63  }
0x15: {  	_ =	swait.ge [sflag:s11], $0x80  }
0x16: {  	[sflag:s11] =	ssyncset.done $0x0  }
0x17: {  	s19 =	simm.s32 $0x0;
	[sflag:s11] =	ssyncadd.s32 $0xFFFFFF80  }
0x18: {  	[tilespmem:s14], [sflag:$0x1] =	stream.indirect.gather [hbm4b:s1+s13], $0x80, s4, s13, $0xb8;
	[tilespmem:$0xC080] =	vst v63  }
.LBB2_2:
0x19: {  	s21 =	sshllo.u32 s19, $0x1  }
0x1a: {  	s20 =	sshll.u32 s21, $0x7  }
0x1b: {  	s20 =	sand.u32 $0x3FFFFF80, s20  }
0x1c: {  	[tilespmem:s15], [sflag:$0x2] =	stream.indirect.gather [hbm4b:s1+s13], $0x80, s20, s13, $0xb8;
	[tilespmem:$0xC080] =	vst v63  }
0x1d: {  	s20 =	sshll.u32 s19, $0xB  }
0x1e: {  	_ =	swait.ge [sflag:s16], $0x4000;
	s22 =	sand.u32 $0x1800, s20  }
0x1f: {  	[sflag:s16] =	ssyncset.done $0x0;
	s24 =	sor.u32 $0xA080, s22  }
0x20: {  	s23 =	simm.s32 $0x2100;
	s22 =	simm.s32 $0x0;
	[sflag:s16] =	ssyncadd.s32 $0xFFFFC000;
	v0 =	vmov s24  }
.LBB2_3:
0x21: {  	s24 =	sshll.u32 s22, $0xD  }
0x22: {  	s24 =	sshra.s32 s24, $0x2  }
0x23: {  	v11 =	vld [tilespmem:s24+$0x2080]  }
0x24: {  	v8 =	vld [tilespmem:s24+$0x2090]  }
0x25: {  	v7 =	vld [tilespmem:s24+$0x20A0]  }
0x26: {  	v6 =	vmov s23;
	v5 =	vld [tilespmem:s24+$0x20B0]  }
0x27: {  	v4 =	vld [tilespmem:s24+$0x20C0]  }
0x28: {  	v2 =	vld [tilespmem:s24+$0x20D0]  }
0x29: {  	v1 =	vld [tilespmem:s24+$0x20E0]  }
0x2a: {  	s26 =	simm.s32 $0x0;
	v3 =	vld [tilespmem:s24+$0x20F0]  }
0x2b: {  	v15 =	vld.idx.msk [tilespmem:v6+s26+$0x70 ss:$0x1], $0xffff  }
0x2c: {  	v16 =	vld.idx.msk [tilespmem:v6+s26+$0x0 ss:$0x1], $0xffff  }
0x2d: {  	v14 =	vld.idx.msk [tilespmem:v6+s26+$0x10 ss:$0x1], $0xffff  }
0x2e: {  	v13 =	vld.idx.msk [tilespmem:v6+s26+$0x20 ss:$0x1], $0xffff  }
0x2f: {  	v12 =	vld.idx.msk [tilespmem:v6+s26+$0x30 ss:$0x1], $0xffff  }
0x30: {  	v10 =	vld.idx.msk [tilespmem:v6+s26+$0x40 ss:$0x1], $0xffff  }
0x31: {  	v9 =	vld.idx.msk [tilespmem:v6+s26+$0x50 ss:$0x1], $0xffff  }
0x32: {  	s25 =	simm.s32 $0x400;
	s24 =	simm.s32 $0x80;
	v3 =	vadd.f32 v15, v3;
	v15 =	vadd.f32 v16, v11;
	v11 =	vld.idx.msk [tilespmem:v6+s26+$0x60 ss:$0x1], $0xffff  }
.LBB2_4:
0x33: {  	p0 =	sne.s32 s25, $0x1C00;
	v16 =	vld.idx.msk [tilespmem:v6+s24+$0x70 ss:$0x1], $0xffff;
	v8 =	vadd.f32 v14, v8  }
0x34: {  	v7 =	vadd.f32 v13, v7;
	v17 =	vld.idx.msk [tilespmem:v6+s24+$0x0 ss:$0x1], $0xffff  }
0x35: {  	v5 =	vadd.f32 v12, v5;
	v14 =	vld.idx.msk [tilespmem:v6+s24+$0x10 ss:$0x1], $0xffff  }
.Ltmp0:
0x36: {  	v4 =	vadd.f32 v10, v4;
	v13 =	vld.idx.msk [tilespmem:v6+s24+$0x20 ss:$0x1], $0xffff;
	(pc) =	sbr.rel @p0 .LBB2_4-.Ltmp0, $4  }
0x37: {  	v2 =	vadd.f32 v9, v2;
	v12 =	vld.idx.msk [tilespmem:v6+s24+$0x30 ss:$0x1], $0xffff  }
0x38: {  	v1 =	vadd.f32 v11, v1;
	v10 =	vld.idx.msk [tilespmem:v6+s24+$0x40 ss:$0x1], $0xffff  }
0x39: {  	v3 =	vadd.f32 v16, v3;
	v9 =	vld.idx.msk [tilespmem:v6+s24+$0x50 ss:$0x1], $0xffff  }
0x3a: {  	v15 =	vadd.f32 v17, v15;
	v11 =	vld.idx.msk [tilespmem:v6+s24+$0x60 ss:$0x1], $0xffff;
	s24 =	sshra.s32 s25, $0x2;
	s25 =	sadd.s32 $0x200, s25  }
0x3b: {  	_ =	sdelay $0x3  }
0x3c: {  	v17 =	vld.idx.msk [tilespmem:v6+s24+$0x0 ss:$0x1], $0xffff  }
0x3d: {  	v18 =	vld.idx.msk [tilespmem:v6+s24+$0x10 ss:$0x1], $0xffff  }
0x3e: {  	v19 =	vld.idx.msk [tilespmem:v6+s24+$0x20 ss:$0x1], $0xffff  }
0x3f: {  	v20 =	vld.idx.msk [tilespmem:v6+s24+$0x30 ss:$0x1], $0xffff  }
0x40: {  	v8 =	vadd.f32 v14, v8;
	v60 =	vld.idx.msk [tilespmem:v6+s24+$0x40 ss:$0x1], $0xffff  }
0x41: {  	v7 =	vadd.f32 v13, v7;
	v62 =	vld.idx.msk [tilespmem:v6+s24+$0x50 ss:$0x1], $0xffff;
	s25 =	sshll.u32 s22, $0x7;
	v61 =	vadd.f32 v17, v15  }
0x42: {  	v63 =	vld.idx.msk [tilespmem:v6+s24+$0x60 ss:$0x1], $0xffff;
	v5 =	vadd.f32 v12, v5;
	s31 =	sand.u32 $0x3FFFFF80, s25;
	v8 =	vadd.f32 v18, v8  }
0x43: {  	v16 =	vld.idx.msk [tilespmem:v6+s24+$0x70 ss:$0x1], $0xffff;
	v4 =	vadd.f32 v10, v4;
	v7 =	vadd.f32 v19, v7;
	[tilespmem:v0+s31+$0x0 ss:$0x1] =	vst.idx.msk $0xffff, v61  }
0x44: {  	s22 =	sadd.s32 $0x1, s22;
	v2 =	vadd.f32 v9, v2;
	v5 =	vadd.f32 v20, v5;
	[tilespmem:v0+s31+$0x10 ss:$0x1] =	vst.idx.msk $0xffff, v8  }
0x45: {  	p0 =	sne.s32 s22, $0x8;
	v1 =	vadd.f32 v11, v1;
	v4 =	vadd.f32 v60, v4;
	[tilespmem:v0+s31+$0x20 ss:$0x1] =	vst.idx.msk $0xffff, v7  }
.Ltmp1:
0x46: {  	v2 =	vadd.f32 v62, v2;
	[tilespmem:v0+s31+$0x30 ss:$0x1] =	vst.idx.msk $0xffff, v5;
	(pc) =	sbr.rel @p0 .LBB2_3-.Ltmp1, $4  }
0x47: {  	v1 =	vadd.f32 v63, v1;
	[tilespmem:v0+s31+$0x40 ss:$0x1] =	vst.idx.msk $0xffff, v4  }
0x48: {  	v3 =	vadd.f32 v16, v3;
	[tilespmem:v0+s31+$0x50 ss:$0x1] =	vst.idx.msk $0xffff, v2  }
0x49: {  	[tilespmem:v0+s31+$0x60 ss:$0x1] =	vst.idx.msk $0xffff, v1  }
0x4a: {  	s23 =	sadd.s32 $0x800, s23;
	[tilespmem:v0+s31+$0x70 ss:$0x1] =	vst.idx.msk $0xffff, v3  }
0x4b: {  	p0 =	seq.s32 s19, $0x1F  }
0x4c: {  	s22 =	sshll.u32 @!p0 s19, $0x8  }
0x4d: {  	s21 =	sshll.u32 s21, $0xA;
	s22 =	sand.u32 @!p0 $0x3FFFFF00, s22  }
0x4e: {  	s23 =	simm.s32 @!p0 $0x80;
	s24 =	simm.s32 @!p0 $0x2080;
	s22 =	sadd.s32 @!p0 $0x100, s22  }
0x4f: {  	[tilespmem:s24], [sflag:$0x1] =	stream.indirect.gather @!p0 [hbm4b:s1+s23], $0x80, s22, s23, $0xb8;
	[tilespmem:$0xC080] =	vst v63  }
0x50: {  	s30 =	sand.u32 $0x1C00, s21;
	_ =	swait.ge [sflag:s17], $0x4000  }
0x51: {  	s21 =	sadd.s32 $0x1, s19;
	s31 =	sor.u32 $0xA080, s30;
	[sflag:s17] =	ssyncset.done $0x0  }
0x52: {  	v0 =	vmov s31;
	s22 =	simm.s32 $0x0;
	s23 =	simm.s32 $0x2080;
	[sflag:s17] =	ssyncadd.s32 $0xFFFFC000  }
.LBB2_7:
0x53: {  	s24 =	sshll.u32 s22, $0xD  }
0x54: {  	s24 =	sshra.s32 s24, $0x2  }
0x55: {  	v11 =	vld [tilespmem:s24+$0x6080]  }
0x56: {  	v8 =	vld [tilespmem:s24+$0x6090]  }
0x57: {  	v7 =	vld [tilespmem:s24+$0x60A0]  }
0x58: {  	v6 =	vmov s23;
	v5 =	vld [tilespmem:s24+$0x60B0]  }
0x59: {  	v4 =	vld [tilespmem:s24+$0x60C0]  }
0x5a: {  	v2 =	vld [tilespmem:s24+$0x60D0]  }
0x5b: {  	v1 =	vld [tilespmem:s24+$0x60E0]  }
0x5c: {  	s26 =	simm.s32 $0x0;
	v3 =	vld [tilespmem:s24+$0x60F0]  }
0x5d: {  	v15 =	vld.idx.msk [tilespmem:v6+s26+$0x40F0 ss:$0x1], $0xffff  }
0x5e: {  	v16 =	vld.idx.msk [tilespmem:v6+s26+$0x4080 ss:$0x1], $0xffff  }
0x5f: {  	v14 =	vld.idx.msk [tilespmem:v6+s26+$0x4090 ss:$0x1], $0xffff  }
0x60: {  	v13 =	vld.idx.msk [tilespmem:v6+s26+$0x40A0 ss:$0x1], $0xffff  }
0x61: {  	v12 =	vld.idx.msk [tilespmem:v6+s26+$0x40B0 ss:$0x1], $0xffff  }
0x62: {  	v10 =	vld.idx.msk [tilespmem:v6+s26+$0x40C0 ss:$0x1], $0xffff  }
0x63: {  	v9 =	vld.idx.msk [tilespmem:v6+s26+$0x40D0 ss:$0x1], $0xffff  }
0x64: {  	s25 =	simm.s32 $0x400;
	s24 =	simm.s32 $0x80;
	v3 =	vadd.f32 v15, v3;
	v15 =	vadd.f32 v16, v11;
	v11 =	vld.idx.msk [tilespmem:v6+s26+$0x40E0 ss:$0x1], $0xffff  }
.LBB2_8:
0x65: {  	p0 =	sne.s32 s25, $0x1C00;
	v16 =	vld.idx.msk [tilespmem:v6+s24+$0x40F0 ss:$0x1], $0xffff;
	v8 =	vadd.f32 v14, v8  }
0x66: {  	v7 =	vadd.f32 v13, v7;
	v17 =	vld.idx.msk [tilespmem:v6+s24+$0x4080 ss:$0x1], $0xffff  }
0x67: {  	v5 =	vadd.f32 v12, v5;
	v14 =	vld.idx.msk [tilespmem:v6+s24+$0x4090 ss:$0x1], $0xffff  }
.Ltmp2:
0x68: {  	v4 =	vadd.f32 v10, v4;
	v13 =	vld.idx.msk [tilespmem:v6+s24+$0x40A0 ss:$0x1], $0xffff;
	(pc) =	sbr.rel @p0 .LBB2_8-.Ltmp2, $4  }
0x69: {  	v2 =	vadd.f32 v9, v2;
	v12 =	vld.idx.msk [tilespmem:v6+s24+$0x40B0 ss:$0x1], $0xffff  }
0x6a: {  	v1 =	vadd.f32 v11, v1;
	v10 =	vld.idx.msk [tilespmem:v6+s24+$0x40C0 ss:$0x1], $0xffff  }
0x6b: {  	v3 =	vadd.f32 v16, v3;
	v9 =	vld.idx.msk [tilespmem:v6+s24+$0x40D0 ss:$0x1], $0xffff  }
0x6c: {  	v15 =	vadd.f32 v17, v15;
	v11 =	vld.idx.msk [tilespmem:v6+s24+$0x40E0 ss:$0x1], $0xffff;
	s24 =	sshra.s32 s25, $0x2;
	s25 =	sadd.s32 $0x200, s25  }
0x6d: {  	_ =	sdelay $0x3  }
0x6e: {  	v17 =	vld.idx.msk [tilespmem:v6+s24+$0x4080 ss:$0x1], $0xffff  }
0x6f: {  	v18 =	vld.idx.msk [tilespmem:v6+s24+$0x4090 ss:$0x1], $0xffff  }
0x70: {  	v19 =	vld.idx.msk [tilespmem:v6+s24+$0x40A0 ss:$0x1], $0xffff  }
0x71: {  	v20 =	vld.idx.msk [tilespmem:v6+s24+$0x40B0 ss:$0x1], $0xffff  }
0x72: {  	v8 =	vadd.f32 v14, v8;
	v60 =	vld.idx.msk [tilespmem:v6+s24+$0x40C0 ss:$0x1], $0xffff  }
0x73: {  	v7 =	vadd.f32 v13, v7;
	v62 =	vld.idx.msk [tilespmem:v6+s24+$0x40D0 ss:$0x1], $0xffff;
	s25 =	sshll.u32 s22, $0x7;
	v61 =	vadd.f32 v17, v15  }
0x74: {  	v63 =	vld.idx.msk [tilespmem:v6+s24+$0x40E0 ss:$0x1], $0xffff;
	v5 =	vadd.f32 v12, v5;
	s31 =	sand.u32 $0x3FFFFF80, s25;
	v8 =	vadd.f32 v18, v8  }
0x75: {  	v16 =	vld.idx.msk [tilespmem:v6+s24+$0x40F0 ss:$0x1], $0xffff;
	v4 =	vadd.f32 v10, v4;
	v7 =	vadd.f32 v19, v7;
	[tilespmem:v0+s31+$0x0 ss:$0x1] =	vst.idx.msk $0xffff, v61  }
0x76: {  	s22 =	sadd.s32 $0x1, s22;
	v2 =	vadd.f32 v9, v2;
	v5 =	vadd.f32 v20, v5;
	[tilespmem:v0+s31+$0x10 ss:$0x1] =	vst.idx.msk $0xffff, v8  }
0x77: {  	p0 =	sne.s32 s22, $0x8;
	v1 =	vadd.f32 v11, v1;
	v4 =	vadd.f32 v60, v4;
	[tilespmem:v0+s31+$0x20 ss:$0x1] =	vst.idx.msk $0xffff, v7  }
.Ltmp3:
0x78: {  	v2 =	vadd.f32 v62, v2;
	[tilespmem:v0+s31+$0x30 ss:$0x1] =	vst.idx.msk $0xffff, v5;
	(pc) =	sbr.rel @p0 .LBB2_7-.Ltmp3, $4  }
0x79: {  	v1 =	vadd.f32 v63, v1;
	[tilespmem:v0+s31+$0x40 ss:$0x1] =	vst.idx.msk $0xffff, v4  }
0x7a: {  	v3 =	vadd.f32 v16, v3;
	[tilespmem:v0+s31+$0x50 ss:$0x1] =	vst.idx.msk $0xffff, v2  }
0x7b: {  	[tilespmem:v0+s31+$0x60 ss:$0x1] =	vst.idx.msk $0xffff, v1  }
0x7c: {  	s23 =	sadd.s32 $0x800, s23;
	[tilespmem:v0+s31+$0x70 ss:$0x1] =	vst.idx.msk $0xffff, v3  }
0x7d: {  	s19 =	sand.u32 $0x3, s19  }
0x7e: {  	p0 =	sne.s32 s19, $0x3  }
0x7f: {  	s19 =	sadd.s32 @!p0 s8, s20  }
0x80: {  	p1 =	sne.s32 s21, $0x20;
	s19 =	sshrl.u32 @!p0 s19, $0x3  }
0x81: {  	s20 =	simm.s32 @!p0 $0x0;
	s22 =	simm.s32 @!p0 $0xA080;
	s19 =	sadd.s32 @!p0 s5, s19  }
0x82: {  	[hbm4b:s19+s20] =	stream.linear.scatter @!p0 [tilespmem:s22], [sflag:$0x3], $0x2000, $0x38;
	[tilespmem:$0xC080] =	vst v63  }
.Ltmp4:
0x83: {  	_ = 	snop;
	(pc) =	sbr.rel @p1 .LBB2_2-.Ltmp4, $4  }
0x84: {  	s19 =	simm.s32 @!p0 $0x3  }
0x85: {  	_ =	swait.ge @!p0 [sflag:s19], $0x2000  }
0x86: {  	[sflag:s19] =	ssyncset.done @!p0 $0x0  }
0x87: {  	[sflag:s19] =	ssyncadd.s32 @!p0 $0xFFFFE000;
	s19 =	smov.u32 s21  }
0x88: {  	[tilespmem:s14], [sflag:$0x1] =	stream.indirect.gather [hbm4b:s3+s13], $0x80, s12, s13, $0xb8;
	[tilespmem:$0xC080] =	vst v63  }
0x89: {  	s18 =	sadd.s32 $0x1, s18;
	_ =	swait.ge [sflag:s16], $0x4000  }
0x8a: {  	p0 =	sne.s32 s18, s10;
	[sflag:s16] =	ssyncset.done $0x0  }
.Ltmp5:
0x8b: {  	[sflag:s16] =	ssyncadd.s32 $0xFFFFC000;
	(pc) =	sbr.rel @p0 .LBB2_1-.Ltmp5, $4  }
0x8c: {  	[hbm4b:s9+s4] =	stream.linear.scatter [tilespmem:s14], [sflag:$0x3], $0x4000, $0x38;
	[tilespmem:$0xC080] =	vst v63  }
0x8d: {  	_ =	swait.ge [sflag:s11], $0x4000  }
0x8e: {  	[sflag:s11] =	ssyncset.done $0x0  }
0x8f: {  	[sflag:s11] =	ssyncadd.s32 $0xFFFFC000  }
0x90: {  	_ =	sfence.sel $0x180000  }
0x91: {  	[bflag:$0x0] =	sbarrier.arrive $0xFFFF  }
0x92: {  	p0 =	sne.s32 s2, $0x0;
	_ =	strace $0x9000004A  }
0x93: {  	s0 =	sadd.s32 @!p0 $0x100000, s0;
	[bflag:$0x2] =	sbarrier.arrive $0xFFFF  }
0x94: {  	[sflag:s0] =	ssyncadd.tile.s32 @!p0 $0x1;
	_ =	shalt  }
.Lfunc_end2:
_tile_overlayer_lowered:
.L_overlay_start_2:
0x95: {  	(tag) =	ssettag $0x2  }
0x96: {  	s0 =	rddreg [dreg:$0x0];
	s2 =	stileid.u32  }
0x97: {  	s1 =	rddreg [dreg:$0x1];
	p0 =	sne.s32 s2, $0x0  }
0x98: {  	s3 =	rddreg [dreg:$0x2];
	[bflag:$0x3] =	sbarrier.arrive $0xFFFF;
	s2 =	simm.s32 @!p0 $0x1C03  }
0x99: {  	[timem:s3], [sflag:s2] =	dma.local @!p0 [hbm:s0], s1  }
0x9a: {  	s0 =	simm.s32 @!p0 $0x3  }
0x9b: {  	_ =	swait.ge @!p0 [sflag:s0], s1  }
0x9c: {  	s1 =	ssub.s32 @!p0 $0x0, s1;
	[sflag:s0] =	ssyncset.done @!p0 $0x0  }
0x9d: {  	[sflag:s0] =	ssyncadd.s32 @!p0 s1  }
0x9e: {  	[bflag:$0x3] =	sbarrier.arrive $0xFFFF  }
0x9f: {  	_ =	shalt  }

</sc_bundles>
